<compile_context>
chip_gen: v7x
topology: tpu7x:2x2x1
jax: 0.10.2.dev20260603
libtpu: 0.0.44.dev20260713+nightly
codegen_flags: <defaults>
</compile_context>

<pallas_src>
import functools

import jax
import jax.numpy as jnp
from jax import lax
from jax.experimental import pallas as pl
from jax.experimental.pallas import tpu as pltpu
from jax.experimental.pallas import tpu_sc as plsc

BATCH_NUM = 1024
WIN_SIZE = 50
EMBED_DIM = 64
ROW_PAD = 128
N = 102400
NSEG = BATCH_NUM * WIN_SIZE

NC = 2
NS = 16
SUB = 128
CPT = N // SUB // NS

QTR = NSEG // 4
QTRASH = QTR
QZ = 804
QPAD = QZ * NS
QOUT = QTR // NS
QRW = 896

HALF = NSEG // NC
HTRASH = HALF
HZ = 1608
HPAD = HZ * NS
HOUT = HALF // NS
HRW = 1664
CW = 16


def _sums_body(ids_hbm, sq0, sq1, sq2, sq3, table_hbm, zeros_hbm,
               zramp_hbm, oramp_hbm, sums_out,
               ids_v, seg_v, rows_v, acc_sh, sem):
    c = lax.axis_index("c")
    s = lax.axis_index("s")

    for p in range(2):
        pltpu.sync_copy(zeros_hbm, rows_v)
        for i in range(QRW // SUB):
            pltpu.sync_copy(zramp_hbm.at[s, 0, pl.ds(i * SUB, SUB)], seg_v)
            pltpu.sync_copy(rows_v, acc_sh.at[seg_v])
        plsc.subcore_barrier()

        sq_a = sq0 if p == 0 else sq1
        sq_b = sq2 if p == 0 else sq3

        @pl.loop(0, CPT)
        def chunk_body(ch):
            base = (s * CPT + ch) * SUB
            pltpu.sync_copy(ids_hbm.at[pl.ds(base, SUB)], ids_v)

            @pl.when(c == 0)
            def _():
                pltpu.sync_copy(sq_a.at[pl.ds(base, SUB)], seg_v)

            @pl.when(c == 1)
            def _():
                pltpu.sync_copy(sq_b.at[pl.ds(base, SUB)], seg_v)

            pltpu.async_copy(table_hbm.at[ids_v], rows_v, sem).wait()
            pltpu.sync_copy(rows_v, acc_sh.at[seg_v], add=True)

        plsc.subcore_barrier()

        q = 2 * c + p
        out0 = q * QTR + s * QOUT
        for i in range(QRW // SUB):
            pltpu.sync_copy(oramp_hbm.at[s, 0, pl.ds(i * SUB, SUB)], seg_v)
            pltpu.async_copy(acc_sh.at[seg_v], rows_v, sem).wait()
            nrows = min(SUB, max(0, QOUT - i * SUB))
            if nrows == SUB:
                pltpu.sync_copy(rows_v,
                                sums_out.at[pl.ds(out0 + i * SUB, SUB)])
            elif nrows:
                pltpu.sync_copy(rows_v.at[pl.ds(0, nrows)],
                                sums_out.at[pl.ds(out0 + i * SUB, nrows)])
        if p == 0:
            plsc.subcore_barrier()


def _counts_body(sc0, sc1, ones_hbm, zeros_hbm, zramp_hbm, oramp_hbm,
                 counts_out, seg_v, ones_v, acc_sh, sem):
    c = lax.axis_index("c")
    s = lax.axis_index("s")

    pltpu.sync_copy(zeros_hbm, ones_v)
    for i in range(HRW // SUB):
        pltpu.sync_copy(zramp_hbm.at[s, 0, pl.ds(i * SUB, SUB)], seg_v)
        pltpu.sync_copy(ones_v, acc_sh.at[seg_v])
    plsc.subcore_barrier()

    pltpu.sync_copy(ones_hbm, ones_v)

    @pl.loop(0, CPT)
    def chunk_body(ch):
        base = (s * CPT + ch) * SUB

        @pl.when(c == 0)
        def _():
            pltpu.sync_copy(sc0.at[pl.ds(base, SUB)], seg_v)

        @pl.when(c == 1)
        def _():
            pltpu.sync_copy(sc1.at[pl.ds(base, SUB)], seg_v)

        pltpu.sync_copy(ones_v, acc_sh.at[seg_v], add=True)

    plsc.subcore_barrier()

    out0 = c * HALF + s * HOUT
    for i in range(HRW // SUB):
        pltpu.sync_copy(oramp_hbm.at[s, 0, pl.ds(i * SUB, SUB)], seg_v)
        pltpu.async_copy(acc_sh.at[seg_v], ones_v, sem).wait()
        nrows = min(SUB, max(0, HOUT - i * SUB))
        if nrows == SUB:
            pltpu.sync_copy(ones_v,
                            counts_out.at[pl.ds(out0 + i * SUB, SUB)])
        elif nrows:
            pltpu.sync_copy(ones_v.at[pl.ds(0, nrows)],
                            counts_out.at[pl.ds(out0 + i * SUB, nrows)])


_sc_sums = functools.partial(
    pl.kernel,
    mesh=plsc.VectorSubcoreMesh(core_axis_name="c", subcore_axis_name="s"),
    out_type=jax.ShapeDtypeStruct((NSEG, ROW_PAD), jnp.float32),
    scratch_types=[
        pltpu.VMEM((SUB,), jnp.int32),
        pltpu.VMEM((SUB,), jnp.int32),
        pltpu.VMEM((SUB, ROW_PAD), jnp.float32),
        pltpu.VMEM_SHARED((QPAD, ROW_PAD), jnp.float32),
        pltpu.SemaphoreType.DMA,
    ],
)(_sums_body)

_sc_counts = functools.partial(
    pl.kernel,
    mesh=plsc.VectorSubcoreMesh(core_axis_name="c", subcore_axis_name="s"),
    out_type=jax.ShapeDtypeStruct((NSEG, CW), jnp.float32),
    scratch_types=[
        pltpu.VMEM((SUB,), jnp.int32),
        pltpu.VMEM((SUB, CW), jnp.float32),
        pltpu.VMEM_SHARED((HPAD, CW), jnp.float32),
        pltpu.SemaphoreType.DMA,
    ],
)(_counts_body)


_BT = 16


def _mean_t_body(s_ref, o_ref):
    sm = s_ref[:, :, :EMBED_DIM]
    ct = s_ref[:, :, EMBED_DIM:EMBED_DIM + 1]
    m = sm / jnp.maximum(ct, 1.0)
    o_ref[...] = jnp.transpose(m, (0, 2, 1))


def kernel(input, batch_i, win_i, table):
    vocab = table.shape[0]
    tab128 = jnp.concatenate(
        [table,
         jnp.ones((vocab, 1), jnp.float32),
         jnp.zeros((vocab, ROW_PAD - EMBED_DIM - 1), jnp.float32)], axis=1)
    seg = batch_i * WIN_SIZE + win_i

    spread = QTRASH + (jnp.arange(N, dtype=jnp.int32) & 63)

    def local(lo):
        d = seg - lo
        return jnp.where((d >= 0) & (d < QTR), d, spread).astype(jnp.int32)

    sq = [local(q * QTR) for q in range(4)]

    tiles = jnp.arange(NS, dtype=jnp.int32)[:, None, None]
    j_q = jnp.arange(QRW, dtype=jnp.int32)[None, None, :]
    zramp_q = jnp.where(j_q < QZ, tiles * QZ + j_q, QTRASH)
    oramp_q = jnp.where(j_q < QOUT, tiles * QOUT + j_q, QTRASH)

    zeros128 = jnp.zeros((SUB, ROW_PAD), jnp.float32)

    sums = _sc_sums(input, sq[0], sq[1], sq[2], sq[3], tab128, zeros128,
                    zramp_q, oramp_q)
    sums3 = sums.reshape(BATCH_NUM, WIN_SIZE, ROW_PAD)
    out = pl.pallas_call(
        _mean_t_body,
        grid=(BATCH_NUM // _BT,),
        in_specs=[
            pl.BlockSpec((_BT, WIN_SIZE, ROW_PAD), lambda i: (i, 0, 0)),
        ],
        out_specs=pl.BlockSpec((_BT, EMBED_DIM, WIN_SIZE), lambda i: (i, 0, 0)),
        out_shape=jax.ShapeDtypeStruct((BATCH_NUM, EMBED_DIM, WIN_SIZE),
                                       jnp.float32),
    )(sums3)
    return out

# --- scband reference (transcript-rebuilt; emitter-appended) ---
"""Pipeline reference for scband-temporal-pooling-8323646620554 (READ-ONLY COPY).

The authoritative reference and input builder live on the scoring server;
editing this copy changes nothing except your own understanding.
"""

import jax, jax.numpy as jnp
import numpy as np

BATCH_NUM = 1024
WIN_SIZE = 50
VOCAB = 1000000
EMBED_DIM = 64
N = 102400


def setup_inputs(seed: int = 0) -> dict:
    key = jax.random.key(seed)
    k1, k2, k3, k4 = jax.random.split(key, 4)
    input_ids = jax.random.randint(k1, (N,), 0, VOCAB, dtype=jnp.int32)
    batch_i = jax.random.randint(k2, (N,), 0, BATCH_NUM, dtype=jnp.int32)
    win_i = jax.random.randint(k3, (N,), 0, WIN_SIZE, dtype=jnp.int32)
    table = jax.random.normal(k4, (VOCAB, EMBED_DIM), dtype=jnp.float32) * 0.02
    return {"input": input_ids, "batch_i": batch_i, "win_i": win_i, "table": table}


def reference(input, batch_i, win_i, table):
    # embeds_model: nn.Embedding lookup
    embeds = jnp.take(table, input, axis=0)  # [N, EMBED_DIM]
    # scatter-add accumulation into (batch, win) cells == segment mean
    seg = batch_i * WIN_SIZE + win_i  # [N]
    num_segments = BATCH_NUM * WIN_SIZE
    sums = jax.ops.segment_sum(embeds, seg, num_segments=num_segments)  # [B*W, D]
    counts = jax.ops.segment_sum(jnp.ones((embeds.shape[0],), dtype=embeds.dtype), seg, num_segments=num_segments)  # [B*W]
    counts_col = counts[:, None]
    out = jnp.where(counts_col > 0, sums / jnp.maximum(counts_col, 1.0), jnp.zeros_like(sums))
    out = out.reshape(BATCH_NUM, WIN_SIZE, EMBED_DIM)
    out = jnp.transpose(out, (0, 2, 1))  # permute(0, 2, 1)
    return out

if __name__ == "__main__":
    import jax
    _d = setup_inputs()
    print(jax.jit(kernel)(*tuple(_d.values())))

</pallas_src>

<mosaic_0001>
#map = affine_map<(d0, d1) -> (0)>
#map1 = affine_map<(d0, d1) -> (0, 0)>
#map2 = affine_map<(d0, d1) -> (0, 0, 0)>
module attributes {stable_mosaic.version = 14 : i64} {
  func.func @_sums_body(%arg0: i32, %arg1: i32, %arg2: memref<102400xi32, #tpu.memory_space<hbm>>, %arg3: memref<102400xi32, #tpu.memory_space<hbm>>, %arg4: memref<102400xi32, #tpu.memory_space<hbm>>, %arg5: memref<102400xi32, #tpu.memory_space<hbm>>, %arg6: memref<102400xi32, #tpu.memory_space<hbm>>, %arg7: memref<1000000x128xf32, #tpu.memory_space<hbm>>, %arg8: memref<128x128xf32, #tpu.memory_space<hbm>>, %arg9: memref<16x1x896xi32, #tpu.memory_space<hbm>>, %arg10: memref<16x1x896xi32, #tpu.memory_space<hbm>>, %arg11: memref<51200x128xf32, #tpu.memory_space<hbm>>, %arg12: memref<128xi32, #tpu.memory_space<vmem>>, %arg13: memref<128xi32, #tpu.memory_space<vmem>>, %arg14: memref<128x128xf32, #tpu.memory_space<vmem>>, %arg15: memref<12864x128xf32, #tpu.memory_space<vmem_shared>>, %arg16: memref<!tpu.dma_semaphore, #tpu.memory_space<semaphore_mem>>) attributes {dimension_semantics = [#tpu.dimension_semantics<core_parallel>, #tpu.dimension_semantics<subcore_parallel>], iteration_bounds = array<i64: 2, 16>, scalar_prefetch = 0 : i64, scratch_operands = 5 : i64, tpu.core_type = #tpu.core_type<sc_vector_subcore>, window_params = [{transform_indices = #map}, {transform_indices = #map}, {transform_indices = #map}, {transform_indices = #map}, {transform_indices = #map}, {transform_indices = #map1}, {transform_indices = #map1}, {transform_indices = #map2}, {transform_indices = #map2}, {transform_indices = #map1}]} {
    "tpu.region"() ({
      %run_scoped3A_166 = tpu.sem_alloc : memref<!tpu.dma_semaphore, #tpu.memory_space<semaphore_mem>>
      tpu.enqueue_dma source(%arg8 : memref<128x128xf32, #tpu.memory_space<hbm>>) target(%arg14 : memref<128x128xf32, #tpu.memory_space<vmem>>) target_semaphore(%run_scoped3A_166 : memref<!tpu.dma_semaphore, #tpu.memory_space<semaphore_mem>>)
      tpu.wait_dma2 semaphore(%run_scoped3A_166 : memref<!tpu.dma_semaphore, #tpu.memory_space<semaphore_mem>>) src(%arg8 : memref<128x128xf32, #tpu.memory_space<hbm>>) dst(%arg14 : memref<128x128xf32, #tpu.memory_space<vmem>>)
      tpu.yield
    }) : () -> ()
    %run_scoped3A = arith.constant 0 : i32
    "tpu.region"() ({
      %run_scoped3A_166 = tpu.sem_alloc : memref<!tpu.dma_semaphore, #tpu.memory_space<semaphore_mem>>
      %dma_start3A_167 = arith.constant 0 : i32
      %dma_start3A_168 = tpu.memref_slice %arg9[%arg1, %run_scoped3A, %dma_start3A_167] : memref<16x1x896xi32, #tpu.memory_space<hbm>> -> memref<1x1x128xi32, #tpu.memory_space<hbm>>
      %dma_start3A_169 = tpu.memref_squeeze %dma_start3A_168 : memref<1x1x128xi32, #tpu.memory_space<hbm>> -> memref<128xi32, #tpu.memory_space<hbm>>
      %dma_start3A_170 = arith.constant 0 : i32
      %dma_start3A_171 = tpu.memref_slice %arg9[%arg1, %run_scoped3A, %dma_start3A_170] : memref<16x1x896xi32, #tpu.memory_space<hbm>> -> memref<1x1x128xi32, #tpu.memory_space<hbm>>
      %dma_start3A_172 = tpu.memref_squeeze %dma_start3A_171 : memref<1x1x128xi32, #tpu.memory_space<hbm>> -> memref<128xi32, #tpu.memory_space<hbm>>
      tpu.enqueue_dma source(%dma_start3A_172 : memref<128xi32, #tpu.memory_space<hbm>>) target(%arg13 : memref<128xi32, #tpu.memory_space<vmem>>) target_semaphore(%run_scoped3A_166 : memref<!tpu.dma_semaphore, #tpu.memory_space<semaphore_mem>>)
      %dma_wait3A_173 = arith.constant 0 : i32
      %dma_wait3A_174 = tpu.memref_slice %arg9[%arg1, %run_scoped3A, %dma_wait3A_173] : memref<16x1x896xi32, #tpu.memory_space<hbm>> -> memref<1x1x128xi32, #tpu.memory_space<hbm>>
      %dma_wait3A_175 = tpu.memref_squeeze %dma_wait3A_174 : memref<1x1x128xi32, #tpu.memory_space<hbm>> -> memref<128xi32, #tpu.memory_space<hbm>>
      %dma_wait3A_176 = arith.constant 0 : i32
      %dma_wait3A_177 = tpu.memref_slice %arg9[%arg1, %run_scoped3A, %dma_wait3A_176] : memref<16x1x896xi32, #tpu.memory_space<hbm>> -> memref<1x1x128xi32, #tpu.memory_space<hbm>>
      %dma_wait3A_178 = tpu.memref_squeeze %dma_wait3A_177 : memref<1x1x128xi32, #tpu.memory_space<hbm>> -> memref<128xi32, #tpu.memory_space<hbm>>
      tpu.wait_dma2 semaphore(%run_scoped3A_166 : memref<!tpu.dma_semaphore, #tpu.memory_space<semaphore_mem>>) src(%dma_wait3A_178 : memref<128xi32, #tpu.memory_space<hbm>>) dst(%arg13 : memref<128xi32, #tpu.memory_space<vmem>>)
      tpu.yield
    }) : () -> ()
    "tpu.region"() ({
      %run_scoped3A_166 = tpu.sem_alloc : memref<!tpu.dma_semaphore, #tpu.memory_space<semaphore_mem>>
      %dma_start3A_167 = arith.constant 0 : i32
      %dma_start3A_168 = arith.constant 0 : i32
      %dma_start3A_169 = tpu.memref_slice %arg15[%dma_start3A_167, %dma_start3A_168] : memref<12864x128xf32, #tpu.memory_space<vmem_shared>> -> memref<12864x128xf32, #tpu.memory_space<vmem_shared>>
      tpu.enqueue_indirect_dma source(%arg14 : memref<128x128xf32, #tpu.memory_space<vmem>>) target(%dma_start3A_169 : memref<12864x128xf32, #tpu.memory_space<vmem_shared>>) offsets(%arg13 : memref<128xi32, #tpu.memory_space<vmem>>) semaphore(%run_scoped3A_166 : memref<!tpu.dma_semaphore, #tpu.memory_space<semaphore_mem>>)
      %dma_wait3A_170 = arith.constant 0 : i32
      %dma_wait3A_171 = arith.constant 0 : i32
      %dma_wait3A_172 = tpu.memref_slice %arg15[%dma_wait3A_170, %dma_wait3A_171] : memref<12864x128xf32, #tpu.memory_space<vmem_shared>> -> memref<12864x128xf32, #tpu.memory_space<vmem_shared>>
      tpu.wait_indirect_dma semaphore(%run_scoped3A_166 : memref<!tpu.dma_semaphore, #tpu.memory_space<semaphore_mem>>) src(%arg14 : memref<128x128xf32, #tpu.memory_space<vmem>>) dst(%dma_wait3A_172 : memref<12864x128xf32, #tpu.memory_space<vmem_shared>>)
      tpu.yield
    }) : () -> ()
    %run_scoped3A_0 = arith.constant 0 : i32
    "tpu.region"() ({
      %run_scoped3A_166 = tpu.sem_alloc : memref<!tpu.dma_semaphore, #tpu.memory_space<semaphore_mem>>
      %dma_start3A_167 = arith.constant 128 : i32
      %dma_start3A_168 = tpu.memref_slice %arg9[%arg1, %run_scoped3A_0, %dma_start3A_167] : memref<16x1x896xi32, #tpu.memory_space<hbm>> -> memref<1x1x128xi32, #tpu.memory_space<hbm>>
      %dma_start3A_169 = tpu.memref_squeeze %dma_start3A_168 : memref<1x1x128xi32, #tpu.memory_space<hbm>> -> memref<128xi32, #tpu.memory_space<hbm>>
      %dma_start3A_170 = arith.constant 128 : i32
      %dma_start3A_171 = tpu.memref_slice %arg9[%arg1, %run_scoped3A_0, %dma_start3A_170] : memref<16x1x896xi32, #tpu.memory_space<hbm>> -> memref<1x1x128xi32, #tpu.memory_space<hbm>>
      %dma_start3A_172 = tpu.memref_squeeze %dma_start3A_171 : memref<1x1x128xi32, #tpu.memory_space<hbm>> -> memref<128xi32, #tpu.memory_space<hbm>>
      tpu.enqueue_dma source(%dma_start3A_172 : memref<128xi32, #tpu.memory_space<hbm>>) target(%arg13 : memref<128xi32, #tpu.memory_space<vmem>>) target_semaphore(%run_scoped3A_166 : memref<!tpu.dma_semaphore, #tpu.memory_space<semaphore_mem>>)
      %dma_wait3A_173 = arith.constant 128 : i32
      %dma_wait3A_174 = tpu.memref_slice %arg9[%arg1, %run_scoped3A_0, %dma_wait3A_173] : memref<16x1x896xi32, #tpu.memory_space<hbm>> -> memref<1x1x128xi32, #tpu.memory_space<hbm>>
      %dma_wait3A_175 = tpu.memref_squeeze %dma_wait3A_174 : memref<1x1x128xi32, #tpu.memory_space<hbm>> -> memref<128xi32, #tpu.memory_space<hbm>>
      %dma_wait3A_176 = arith.constant 128 : i32
      %dma_wait3A_177 = tpu.memref_slice %arg9[%arg1, %run_scoped3A_0, %dma_wait3A_176] : memref<16x1x896xi32, #tpu.memory_space<hbm>> -> memref<1x1x128xi32, #tpu.memory_space<hbm>>
      %dma_wait3A_178 = tpu.memref_squeeze %dma_wait3A_177 : memref<1x1x128xi32, #tpu.memory_space<hbm>> -> memref<128xi32, #tpu.memory_space<hbm>>
      tpu.wait_dma2 semaphore(%run_scoped3A_166 : memref<!tpu.dma_semaphore, #tpu.memory_space<semaphore_mem>>) src(%dma_wait3A_178 : memref<128xi32, #tpu.memory_space<hbm>>) dst(%arg13 : memref<128xi32, #tpu.memory_space<vmem>>)
      tpu.yield
    }) : () -> ()
    "tpu.region"() ({
      %run_scoped3A_166 = tpu.sem_alloc : memref<!tpu.dma_semaphore, #tpu.memory_space<semaphore_mem>>
      %dma_start3A_167 = arith.constant 0 : i32
      %dma_start3A_168 = arith.constant 0 : i32
      %dma_start3A_169 = tpu.memref_slice %arg15[%dma_start3A_167, %dma_start3A_168] : memref<12864x128xf32, #tpu.memory_space<vmem_shared>> -> memref<12864x128xf32, #tpu.memory_space<vmem_shared>>
      tpu.enqueue_indirect_dma source(%arg14 : memref<128x128xf32, #tpu.memory_space<vmem>>) target(%dma_start3A_169 : memref<12864x128xf32, #tpu.memory_space<vmem_shared>>) offsets(%arg13 : memref<128xi32, #tpu.memory_space<vmem>>) semaphore(%run_scoped3A_166 : memref<!tpu.dma_semaphore, #tpu.memory_space<semaphore_mem>>)
      %dma_wait3A_170 = arith.constant 0 : i32
      %dma_wait3A_171 = arith.constant 0 : i32
      %dma_wait3A_172 = tpu.memref_slice %arg15[%dma_wait3A_170, %dma_wait3A_171] : memref<12864x128xf32, #tpu.memory_space<vmem_shared>> -> memref<12864x128xf32, #tpu.memory_space<vmem_shared>>
      tpu.wait_indirect_dma semaphore(%run_scoped3A_166 : memref<!tpu.dma_semaphore, #tpu.memory_space<semaphore_mem>>) src(%arg14 : memref<128x128xf32, #tpu.memory_space<vmem>>) dst(%dma_wait3A_172 : memref<12864x128xf32, #tpu.memory_space<vmem_shared>>)
      tpu.yield
    }) : () -> ()
    %run_scoped3A_1 = arith.constant 0 : i32
    "tpu.region"() ({
      %run_scoped3A_166 = tpu.sem_alloc : memref<!tpu.dma_semaphore, #tpu.memory_space<semaphore_mem>>
      %dma_start3A_167 = arith.constant 256 : i32
      %dma_start3A_168 = tpu.memref_slice %arg9[%arg1, %run_scoped3A_1, %dma_start3A_167] : memref<16x1x896xi32, #tpu.memory_space<hbm>> -> memref<1x1x128xi32, #tpu.memory_space<hbm>>
      %dma_start3A_169 = tpu.memref_squeeze %dma_start3A_168 : memref<1x1x128xi32, #tpu.memory_space<hbm>> -> memref<128xi32, #tpu.memory_space<hbm>>
      %dma_start3A_170 = arith.constant 256 : i32
      %dma_start3A_171 = tpu.memref_slice %arg9[%arg1, %run_scoped3A_1, %dma_start3A_170] : memref<16x1x896xi32, #tpu.memory_space<hbm>> -> memref<1x1x128xi32, #tpu.memory_space<hbm>>
      %dma_start3A_172 = tpu.memref_squeeze %dma_start3A_171 : memref<1x1x128xi32, #tpu.memory_space<hbm>> -> memref<128xi32, #tpu.memory_space<hbm>>
      tpu.enqueue_dma source(%dma_start3A_172 : memref<128xi32, #tpu.memory_space<hbm>>) target(%arg13 : memref<128xi32, #tpu.memory_space<vmem>>) target_semaphore(%run_scoped3A_166 : memref<!tpu.dma_semaphore, #tpu.memory_space<semaphore_mem>>)
      %dma_wait3A_173 = arith.constant 256 : i32
      %dma_wait3A_174 = tpu.memref_slice %arg9[%arg1, %run_scoped3A_1, %dma_wait3A_173] : memref<16x1x896xi32, #tpu.memory_space<hbm>> -> memref<1x1x128xi32, #tpu.memory_space<hbm>>
      %dma_wait3A_175 = tpu.memref_squeeze %dma_wait3A_174 : memref<1x1x128xi32, #tpu.memory_space<hbm>> -> memref<128xi32, #tpu.memory_space<hbm>>
      %dma_wait3A_176 = arith.constant 256 : i32
      %dma_wait3A_177 = tpu.memref_slice %arg9[%arg1, %run_scoped3A_1, %dma_wait3A_176] : memref<16x1x896xi32, #tpu.memory_space<hbm>> -> memref<1x1x128xi32, #tpu.memory_space<hbm>>
      %dma_wait3A_178 = tpu.memref_squeeze %dma_wait3A_177 : memref<1x1x128xi32, #tpu.memory_space<hbm>> -> memref<128xi32, #tpu.memory_space<hbm>>
      tpu.wait_dma2 semaphore(%run_scoped3A_166 : memref<!tpu.dma_semaphore, #tpu.memory_space<semaphore_mem>>) src(%dma_wait3A_178 : memref<128xi32, #tpu.memory_space<hbm>>) dst(%arg13 : memref<128xi32, #tpu.memory_space<vmem>>)
      tpu.yield
    }) : () -> ()
    "tpu.region"() ({
      %run_scoped3A_166 = tpu.sem_alloc : memref<!tpu.dma_semaphore, #tpu.memory_space<semaphore_mem>>
      %dma_start3A_167 = arith.constant 0 : i32
      %dma_start3A_168 = arith.constant 0 : i32
      %dma_start3A_169 = tpu.memref_slice %arg15[%dma_start3A_167, %dma_start3A_168] : memref<12864x128xf32, #tpu.memory_space<vmem_shared>> -> memref<12864x128xf32, #tpu.memory_space<vmem_shared>>
      tpu.enqueue_indirect_dma source(%arg14 : memref<128x128xf32, #tpu.memory_space<vmem>>) target(%dma_start3A_169 : memref<12864x128xf32, #tpu.memory_space<vmem_shared>>) offsets(%arg13 : memref<128xi32, #tpu.memory_space<vmem>>) semaphore(%run_scoped3A_166 : memref<!tpu.dma_semaphore, #tpu.memory_space<semaphore_mem>>)
      %dma_wait3A_170 = arith.constant 0 : i32
      %dma_wait3A_171 = arith.constant 0 : i32
      %dma_wait3A_172 = tpu.memref_slice %arg15[%dma_wait3A_170, %dma_wait3A_171] : memref<12864x128xf32, #tpu.memory_space<vmem_shared>> -> memref<12864x128xf32, #tpu.memory_space<vmem_shared>>
      tpu.wait_indirect_dma semaphore(%run_scoped3A_166 : memref<!tpu.dma_semaphore, #tpu.memory_space<semaphore_mem>>) src(%arg14 : memref<128x128xf32, #tpu.memory_space<vmem>>) dst(%dma_wait3A_172 : memref<12864x128xf32, #tpu.memory_space<vmem_shared>>)
      tpu.yield
    }) : () -> ()
    %run_scoped3A_2 = arith.constant 0 : i32
    "tpu.region"() ({
      %run_scoped3A_166 = tpu.sem_alloc : memref<!tpu.dma_semaphore, #tpu.memory_space<semaphore_mem>>
      %dma_start3A_167 = arith.constant 384 : i32
      %dma_start3A_168 = tpu.memref_slice %arg9[%arg1, %run_scoped3A_2, %dma_start3A_167] : memref<16x1x896xi32, #tpu.memory_space<hbm>> -> memref<1x1x128xi32, #tpu.memory_space<hbm>>
      %dma_start3A_169 = tpu.memref_squeeze %dma_start3A_168 : memref<1x1x128xi32, #tpu.memory_space<hbm>> -> memref<128xi32, #tpu.memory_space<hbm>>
      %dma_start3A_170 = arith.constant 384 : i32
      %dma_start3A_171 = tpu.memref_slice %arg9[%arg1, %run_scoped3A_2, %dma_start3A_170] : memref<16x1x896xi32, #tpu.memory_space<hbm>> -> memref<1x1x128xi32, #tpu.memory_space<hbm>>
      %dma_start3A_172 = tpu.memref_squeeze %dma_start3A_171 : memref<1x1x128xi32, #tpu.memory_space<hbm>> -> memref<128xi32, #tpu.memory_space<hbm>>
      tpu.enqueue_dma source(%dma_start3A_172 : memref<128xi32, #tpu.memory_space<hbm>>) target(%arg13 : memref<128xi32, #tpu.memory_space<vmem>>) target_semaphore(%run_scoped3A_166 : memref<!tpu.dma_semaphore, #tpu.memory_space<semaphore_mem>>)
      %dma_wait3A_173 = arith.constant 384 : i32
      %dma_wait3A_174 = tpu.memref_slice %arg9[%arg1, %run_scoped3A_2, %dma_wait3A_173] : memref<16x1x896xi32, #tpu.memory_space<hbm>> -> memref<1x1x128xi32, #tpu.memory_space<hbm>>
      %dma_wait3A_175 = tpu.memref_squeeze %dma_wait3A_174 : memref<1x1x128xi32, #tpu.memory_space<hbm>> -> memref<128xi32, #tpu.memory_space<hbm>>
      %dma_wait3A_176 = arith.constant 384 : i32
      %dma_wait3A_177 = tpu.memref_slice %arg9[%arg1, %run_scoped3A_2, %dma_wait3A_176] : memref<16x1x896xi32, #tpu.memory_space<hbm>> -> memref<1x1x128xi32, #tpu.memory_space<hbm>>
      %dma_wait3A_178 = tpu.memref_squeeze %dma_wait3A_177 : memref<1x1x128xi32, #tpu.memory_space<hbm>> -> memref<128xi32, #tpu.memory_space<hbm>>
      tpu.wait_dma2 semaphore(%run_scoped3A_166 : memref<!tpu.dma_semaphore, #tpu.memory_space<semaphore_mem>>) src(%dma_wait3A_178 : memref<128xi32, #tpu.memory_space<hbm>>) dst(%arg13 : memref<128xi32, #tpu.memory_space<vmem>>)
      tpu.yield
    }) : () -> ()
    "tpu.region"() ({
      %run_scoped3A_166 = tpu.sem_alloc : memref<!tpu.dma_semaphore, #tpu.memory_space<semaphore_mem>>
      %dma_start3A_167 = arith.constant 0 : i32
      %dma_start3A_168 = arith.constant 0 : i32
      %dma_start3A_169 = tpu.memref_slice %arg15[%dma_start3A_167, %dma_start3A_168] : memref<12864x128xf32, #tpu.memory_space<vmem_shared>> -> memref<12864x128xf32, #tpu.memory_space<vmem_shared>>
      tpu.enqueue_indirect_dma source(%arg14 : memref<128x128xf32, #tpu.memory_space<vmem>>) target(%dma_start3A_169 : memref<12864x128xf32, #tpu.memory_space<vmem_shared>>) offsets(%arg13 : memref<128xi32, #tpu.memory_space<vmem>>) semaphore(%run_scoped3A_166 : memref<!tpu.dma_semaphore, #tpu.memory_space<semaphore_mem>>)
      %dma_wait3A_170 = arith.constant 0 : i32
      %dma_wait3A_171 = arith.constant 0 : i32
      %dma_wait3A_172 = tpu.memref_slice %arg15[%dma_wait3A_170, %dma_wait3A_171] : memref<12864x128xf32, #tpu.memory_space<vmem_shared>> -> memref<12864x128xf32, #tpu.memory_space<vmem_shared>>
      tpu.wait_indirect_dma semaphore(%run_scoped3A_166 : memref<!tpu.dma_semaphore, #tpu.memory_space<semaphore_mem>>) src(%arg14 : memref<128x128xf32, #tpu.memory_space<vmem>>) dst(%dma_wait3A_172 : memref<12864x128xf32, #tpu.memory_space<vmem_shared>>)
      tpu.yield
    }) : () -> ()
    %run_scoped3A_3 = arith.constant 0 : i32
    "tpu.region"() ({
      %run_scoped3A_166 = tpu.sem_alloc : memref<!tpu.dma_semaphore, #tpu.memory_space<semaphore_mem>>
      %dma_start3A_167 = arith.constant 512 : i32
      %dma_start3A_168 = tpu.memref_slice %arg9[%arg1, %run_scoped3A_3, %dma_start3A_167] : memref<16x1x896xi32, #tpu.memory_space<hbm>> -> memref<1x1x128xi32, #tpu.memory_space<hbm>>
      %dma_start3A_169 = tpu.memref_squeeze %dma_start3A_168 : memref<1x1x128xi32, #tpu.memory_space<hbm>> -> memref<128xi32, #tpu.memory_space<hbm>>
      %dma_start3A_170 = arith.constant 512 : i32
      %dma_start3A_171 = tpu.memref_slice %arg9[%arg1, %run_scoped3A_3, %dma_start3A_170] : memref<16x1x896xi32, #tpu.memory_space<hbm>> -> memref<1x1x128xi32, #tpu.memory_space<hbm>>
      %dma_start3A_172 = tpu.memref_squeeze %dma_start3A_171 : memref<1x1x128xi32, #tpu.memory_space<hbm>> -> memref<128xi32, #tpu.memory_space<hbm>>
      tpu.enqueue_dma source(%dma_start3A_172 : memref<128xi32, #tpu.memory_space<hbm>>) target(%arg13 : memref<128xi32, #tpu.memory_space<vmem>>) target_semaphore(%run_scoped3A_166 : memref<!tpu.dma_semaphore, #tpu.memory_space<semaphore_mem>>)
      %dma_wait3A_173 = arith.constant 512 : i32
      %dma_wait3A_174 = tpu.memref_slice %arg9[%arg1, %run_scoped3A_3, %dma_wait3A_173] : memref<16x1x896xi32, #tpu.memory_space<hbm>> -> memref<1x1x128xi32, #tpu.memory_space<hbm>>
      %dma_wait3A_175 = tpu.memref_squeeze %dma_wait3A_174 : memref<1x1x128xi32, #tpu.memory_space<hbm>> -> memref<128xi32, #tpu.memory_space<hbm>>
      %dma_wait3A_176 = arith.constant 512 : i32
      %dma_wait3A_177 = tpu.memref_slice %arg9[%arg1, %run_scoped3A_3, %dma_wait3A_176] : memref<16x1x896xi32, #tpu.memory_space<hbm>> -> memref<1x1x128xi32, #tpu.memory_space<hbm>>
      %dma_wait3A_178 = tpu.memref_squeeze %dma_wait3A_177 : memref<1x1x128xi32, #tpu.memory_space<hbm>> -> memref<128xi32, #tpu.memory_space<hbm>>
      tpu.wait_dma2 semaphore(%run_scoped3A_166 : memref<!tpu.dma_semaphore, #tpu.memory_space<semaphore_mem>>) src(%dma_wait3A_178 : memref<128xi32, #tpu.memory_space<hbm>>) dst(%arg13 : memref<128xi32, #tpu.memory_space<vmem>>)
      tpu.yield
    }) : () -> ()
    "tpu.region"() ({
      %run_scoped3A_166 = tpu.sem_alloc : memref<!tpu.dma_semaphore, #tpu.memory_space<semaphore_mem>>
      %dma_start3A_167 = arith.constant 0 : i32
      %dma_start3A_168 = arith.constant 0 : i32
      %dma_start3A_169 = tpu.memref_slice %arg15[%dma_start3A_167, %dma_start3A_168] : memref<12864x128xf32, #tpu.memory_space<vmem_shared>> -> memref<12864x128xf32, #tpu.memory_space<vmem_shared>>
      tpu.enqueue_indirect_dma source(%arg14 : memref<128x128xf32, #tpu.memory_space<vmem>>) target(%dma_start3A_169 : memref<12864x128xf32, #tpu.memory_space<vmem_shared>>) offsets(%arg13 : memref<128xi32, #tpu.memory_space<vmem>>) semaphore(%run_scoped3A_166 : memref<!tpu.dma_semaphore, #tpu.memory_space<semaphore_mem>>)
      %dma_wait3A_170 = arith.constant 0 : i32
      %dma_wait3A_171 = arith.constant 0 : i32
      %dma_wait3A_172 = tpu.memref_slice %arg15[%dma_wait3A_170, %dma_wait3A_171] : memref<12864x128xf32, #tpu.memory_space<vmem_shared>> -> memref<12864x128xf32, #tpu.memory_space<vmem_shared>>
      tpu.wait_indirect_dma semaphore(%run_scoped3A_166 : memref<!tpu.dma_semaphore, #tpu.memory_space<semaphore_mem>>) src(%arg14 : memref<128x128xf32, #tpu.memory_space<vmem>>) dst(%dma_wait3A_172 : memref<12864x128xf32, #tpu.memory_space<vmem_shared>>)
      tpu.yield
    }) : () -> ()
    %run_scoped3A_4 = arith.constant 0 : i32
    "tpu.region"() ({
      %run_scoped3A_166 = tpu.sem_alloc : memref<!tpu.dma_semaphore, #tpu.memory_space<semaphore_mem>>
      %dma_start3A_167 = arith.constant 640 : i32
      %dma_start3A_168 = tpu.memref_slice %arg9[%arg1, %run_scoped3A_4, %dma_start3A_167] : memref<16x1x896xi32, #tpu.memory_space<hbm>> -> memref<1x1x128xi32, #tpu.memory_space<hbm>>
      %dma_start3A_169 = tpu.memref_squeeze %dma_start3A_168 : memref<1x1x128xi32, #tpu.memory_space<hbm>> -> memref<128xi32, #tpu.memory_space<hbm>>
      %dma_start3A_170 = arith.constant 640 : i32
      %dma_start3A_171 = tpu.memref_slice %arg9[%arg1, %run_scoped3A_4, %dma_start3A_170] : memref<16x1x896xi32, #tpu.memory_space<hbm>> -> memref<1x1x128xi32, #tpu.memory_space<hbm>>
      %dma_start3A_172 = tpu.memref_squeeze %dma_start3A_171 : memref<1x1x128xi32, #tpu.memory_space<hbm>> -> memref<128xi32, #tpu.memory_space<hbm>>
      tpu.enqueue_dma source(%dma_start3A_172 : memref<128xi32, #tpu.memory_space<hbm>>) target(%arg13 : memref<128xi32, #tpu.memory_space<vmem>>) target_semaphore(%run_scoped3A_166 : memref<!tpu.dma_semaphore, #tpu.memory_space<semaphore_mem>>)
      %dma_wait3A_173 = arith.constant 640 : i32
      %dma_wait3A_174 = tpu.memref_slice %arg9[%arg1, %run_scoped3A_4, %dma_wait3A_173] : memref<16x1x896xi32, #tpu.memory_space<hbm>> -> memref<1x1x128xi32, #tpu.memory_space<hbm>>
      %dma_wait3A_175 = tpu.memref_squeeze %dma_wait3A_174 : memref<1x1x128xi32, #tpu.memory_space<hbm>> -> memref<128xi32, #tpu.memory_space<hbm>>
      %dma_wait3A_176 = arith.constant 640 : i32
      %dma_wait3A_177 = tpu.memref_slice %arg9[%arg1, %run_scoped3A_4, %dma_wait3A_176] : memref<16x1x896xi32, #tpu.memory_space<hbm>> -> memref<1x1x128xi32, #tpu.memory_space<hbm>>
      %dma_wait3A_178 = tpu.memref_squeeze %dma_wait3A_177 : memref<1x1x128xi32, #tpu.memory_space<hbm>> -> memref<128xi32, #tpu.memory_space<hbm>>
      tpu.wait_dma2 semaphore(%run_scoped3A_166 : memref<!tpu.dma_semaphore, #tpu.memory_space<semaphore_mem>>) src(%dma_wait3A_178 : memref<128xi32, #tpu.memory_space<hbm>>) dst(%arg13 : memref<128xi32, #tpu.memory_space<vmem>>)
      tpu.yield
    }) : () -> ()
    "tpu.region"() ({
      %run_scoped3A_166 = tpu.sem_alloc : memref<!tpu.dma_semaphore, #tpu.memory_space<semaphore_mem>>
      %dma_start3A_167 = arith.constant 0 : i32
      %dma_start3A_168 = arith.constant 0 : i32
      %dma_start3A_169 = tpu.memref_slice %arg15[%dma_start3A_167, %dma_start3A_168] : memref<12864x128xf32, #tpu.memory_space<vmem_shared>> -> memref<12864x128xf32, #tpu.memory_space<vmem_shared>>
      tpu.enqueue_indirect_dma source(%arg14 : memref<128x128xf32, #tpu.memory_space<vmem>>) target(%dma_start3A_169 : memref<12864x128xf32, #tpu.memory_space<vmem_shared>>) offsets(%arg13 : memref<128xi32, #tpu.memory_space<vmem>>) semaphore(%run_scoped3A_166 : memref<!tpu.dma_semaphore, #tpu.memory_space<semaphore_mem>>)
      %dma_wait3A_170 = arith.constant 0 : i32
      %dma_wait3A_171 = arith.constant 0 : i32
      %dma_wait3A_172 = tpu.memref_slice %arg15[%dma_wait3A_170, %dma_wait3A_171] : memref<12864x128xf32, #tpu.memory_space<vmem_shared>> -> memref<12864x128xf32, #tpu.memory_space<vmem_shared>>
      tpu.wait_indirect_dma semaphore(%run_scoped3A_166 : memref<!tpu.dma_semaphore, #tpu.memory_space<semaphore_mem>>) src(%arg14 : memref<128x128xf32, #tpu.memory_space<vmem>>) dst(%dma_wait3A_172 : memref<12864x128xf32, #tpu.memory_space<vmem_shared>>)
      tpu.yield
    }) : () -> ()
    %run_scoped3A_5 = arith.constant 0 : i32
    "tpu.region"() ({
      %run_scoped3A_166 = tpu.sem_alloc : memref<!tpu.dma_semaphore, #tpu.memory_space<semaphore_mem>>
      %dma_start3A_167 = arith.constant 768 : i32
      %dma_start3A_168 = tpu.memref_slice %arg9[%arg1, %run_scoped3A_5, %dma_start3A_167] : memref<16x1x896xi32, #tpu.memory_space<hbm>> -> memref<1x1x128xi32, #tpu.memory_space<hbm>>
      %dma_start3A_169 = tpu.memref_squeeze %dma_start3A_168 : memref<1x1x128xi32, #tpu.memory_space<hbm>> -> memref<128xi32, #tpu.memory_space<hbm>>
      %dma_start3A_170 = arith.constant 768 : i32
      %dma_start3A_171 = tpu.memref_slice %arg9[%arg1, %run_scoped3A_5, %dma_start3A_170] : memref<16x1x896xi32, #tpu.memory_space<hbm>> -> memref<1x1x128xi32, #tpu.memory_space<hbm>>
      %dma_start3A_172 = tpu.memref_squeeze %dma_start3A_171 : memref<1x1x128xi32, #tpu.memory_space<hbm>> -> memref<128xi32, #tpu.memory_space<hbm>>
      tpu.enqueue_dma source(%dma_start3A_172 : memref<128xi32, #tpu.memory_space<hbm>>) target(%arg13 : memref<128xi32, #tpu.memory_space<vmem>>) target_semaphore(%run_scoped3A_166 : memref<!tpu.dma_semaphore, #tpu.memory_space<semaphore_mem>>)
      %dma_wait3A_173 = arith.constant 768 : i32
      %dma_wait3A_174 = tpu.memref_slice %arg9[%arg1, %run_scoped3A_5, %dma_wait3A_173] : memref<16x1x896xi32, #tpu.memory_space<hbm>> -> memref<1x1x128xi32, #tpu.memory_space<hbm>>
      %dma_wait3A_175 = tpu.memref_squeeze %dma_wait3A_174 : memref<1x1x128xi32, #tpu.memory_space<hbm>> -> memref<128xi32, #tpu.memory_space<hbm>>
      %dma_wait3A_176 = arith.constant 768 : i32
      %dma_wait3A_177 = tpu.memref_slice %arg9[%arg1, %run_scoped3A_5, %dma_wait3A_176] : memref<16x1x896xi32, #tpu.memory_space<hbm>> -> memref<1x1x128xi32, #tpu.memory_space<hbm>>
      %dma_wait3A_178 = tpu.memref_squeeze %dma_wait3A_177 : memref<1x1x128xi32, #tpu.memory_space<hbm>> -> memref<128xi32, #tpu.memory_space<hbm>>
      tpu.wait_dma2 semaphore(%run_scoped3A_166 : memref<!tpu.dma_semaphore, #tpu.memory_space<semaphore_mem>>) src(%dma_wait3A_178 : memref<128xi32, #tpu.memory_space<hbm>>) dst(%arg13 : memref<128xi32, #tpu.memory_space<vmem>>)
      tpu.yield
    }) : () -> ()
    "tpu.region"() ({
      %run_scoped3A_166 = tpu.sem_alloc : memref<!tpu.dma_semaphore, #tpu.memory_space<semaphore_mem>>
      %dma_start3A_167 = arith.constant 0 : i32
      %dma_start3A_168 = arith.constant 0 : i32
      %dma_start3A_169 = tpu.memref_slice %arg15[%dma_start3A_167, %dma_start3A_168] : memref<12864x128xf32, #tpu.memory_space<vmem_shared>> -> memref<12864x128xf32, #tpu.memory_space<vmem_shared>>
      tpu.enqueue_indirect_dma source(%arg14 : memref<128x128xf32, #tpu.memory_space<vmem>>) target(%dma_start3A_169 : memref<12864x128xf32, #tpu.memory_space<vmem_shared>>) offsets(%arg13 : memref<128xi32, #tpu.memory_space<vmem>>) semaphore(%run_scoped3A_166 : memref<!tpu.dma_semaphore, #tpu.memory_space<semaphore_mem>>)
      %dma_wait3A_170 = arith.constant 0 : i32
      %dma_wait3A_171 = arith.constant 0 : i32
      %dma_wait3A_172 = tpu.memref_slice %arg15[%dma_wait3A_170, %dma_wait3A_171] : memref<12864x128xf32, #tpu.memory_space<vmem_shared>> -> memref<12864x128xf32, #tpu.memory_space<vmem_shared>>
      tpu.wait_indirect_dma semaphore(%run_scoped3A_166 : memref<!tpu.dma_semaphore, #tpu.memory_space<semaphore_mem>>) src(%arg14 : memref<128x128xf32, #tpu.memory_space<vmem>>) dst(%dma_wait3A_172 : memref<12864x128xf32, #tpu.memory_space<vmem_shared>>)
      tpu.yield
    }) : () -> ()
    %barrier3A = arith.constant 0 : index
    tpu.barrier barrier_id(%barrier3A)
    %scan3A = arith.constant 0 : i32
    %scan3A_6 = arith.constant 50 : i32
    %scan3A_7 = arith.addi %scan3A, %scan3A_6 : i32
    %scan3A_8 = arith.constant 1 : i32
    scf.for %scan3A_166 = %scan3A to %scan3A_7 step %scan3A_8  : i32 {
      %mul3A_167 = arith.constant 1 : i32
      %mul3A_168 = arith.muli %scan3A_166, %mul3A_167 : i32
      %add3A_169 = arith.constant 0 : i32
      %add3A_170 = arith.addi %add3A_169, %mul3A_168 : i32
      %mul3A_171 = arith.constant 50 : i32
      %mul3A_172 = arith.muli %arg1, %mul3A_171 : i32
      %add3A_173 = arith.addi %mul3A_172, %add3A_170 : i32
      %mul3A_174 = arith.constant 128 : i32
      %mul3A_175 = arith.muli %add3A_173, %mul3A_174 : i32
      "tpu.region"() ({
        %run_scoped3A_189 = tpu.sem_alloc : memref<!tpu.dma_semaphore, #tpu.memory_space<semaphore_mem>>
        %dma_start3A_190 = tpu.memref_slice %arg2[%mul3A_175] : memref<102400xi32, #tpu.memory_space<hbm>> -> memref<128xi32, #tpu.memory_space<hbm>>
        %dma_start3A_191 = tpu.memref_slice %arg2[%mul3A_175] : memref<102400xi32, #tpu.memory_space<hbm>> -> memref<128xi32, #tpu.memory_space<hbm>>
        tpu.enqueue_dma source(%dma_start3A_191 : memref<128xi32, #tpu.memory_space<hbm>>) target(%arg12 : memref<128xi32, #tpu.memory_space<vmem>>) target_semaphore(%run_scoped3A_189 : memref<!tpu.dma_semaphore, #tpu.memory_space<semaphore_mem>>)
        %dma_wait3A_192 = tpu.memref_slice %arg2[%mul3A_175] : memref<102400xi32, #tpu.memory_space<hbm>> -> memref<128xi32, #tpu.memory_space<hbm>>
        %dma_wait3A_193 = tpu.memref_slice %arg2[%mul3A_175] : memref<102400xi32, #tpu.memory_space<hbm>> -> memref<128xi32, #tpu.memory_space<hbm>>
        tpu.wait_dma2 semaphore(%run_scoped3A_189 : memref<!tpu.dma_semaphore, #tpu.memory_space<semaphore_mem>>) src(%dma_wait3A_193 : memref<128xi32, #tpu.memory_space<hbm>>) dst(%arg12 : memref<128xi32, #tpu.memory_space<vmem>>)
        tpu.yield
      }) : () -> ()
      %eq3A = arith.constant 0 : i32
      %eq3A_176 = arith.cmpi eq, %arg0, %eq3A : i32
      %convert_element_type3A = arith.extui %eq3A_176 : i1 to i32
      %cond3A = arith.constant 0 : i32
      %cond3A_177 = arith.cmpi ne, %convert_element_type3A, %cond3A : i32
      scf.if %cond3A_177 {
        "tpu.region"() ({
          %run_scoped3A_189 = tpu.sem_alloc : memref<!tpu.dma_semaphore, #tpu.memory_space<semaphore_mem>>
          %dma_start3A_190 = tpu.memref_slice %arg3[%mul3A_175] : memref<102400xi32, #tpu.memory_space<hbm>> -> memref<128xi32, #tpu.memory_space<hbm>>
          %dma_start3A_191 = tpu.memref_slice %arg3[%mul3A_175] : memref<102400xi32, #tpu.memory_space<hbm>> -> memref<128xi32, #tpu.memory_space<hbm>>
          tpu.enqueue_dma source(%dma_start3A_191 : memref<128xi32, #tpu.memory_space<hbm>>) target(%arg13 : memref<128xi32, #tpu.memory_space<vmem>>) target_semaphore(%run_scoped3A_189 : memref<!tpu.dma_semaphore, #tpu.memory_space<semaphore_mem>>)
          %dma_wait3A_192 = tpu.memref_slice %arg3[%mul3A_175] : memref<102400xi32, #tpu.memory_space<hbm>> -> memref<128xi32, #tpu.memory_space<hbm>>
          %dma_wait3A_193 = tpu.memref_slice %arg3[%mul3A_175] : memref<102400xi32, #tpu.memory_space<hbm>> -> memref<128xi32, #tpu.memory_space<hbm>>
          tpu.wait_dma2 semaphore(%run_scoped3A_189 : memref<!tpu.dma_semaphore, #tpu.memory_space<semaphore_mem>>) src(%dma_wait3A_193 : memref<128xi32, #tpu.memory_space<hbm>>) dst(%arg13 : memref<128xi32, #tpu.memory_space<vmem>>)
          tpu.yield
        }) : () -> ()
      } else {
      }
      %eq3A_178 = arith.constant 1 : i32
      %eq3A_179 = arith.cmpi eq, %arg0, %eq3A_178 : i32
      %convert_element_type3A_180 = arith.extui %eq3A_179 : i1 to i32
      %cond3A_181 = arith.constant 0 : i32
      %cond3A_182 = arith.cmpi ne, %convert_element_type3A_180, %cond3A_181 : i32
      scf.if %cond3A_182 {
        "tpu.region"() ({
          %run_scoped3A_189 = tpu.sem_alloc : memref<!tpu.dma_semaphore, #tpu.memory_space<semaphore_mem>>
          %dma_start3A_190 = tpu.memref_slice %arg5[%mul3A_175] : memref<102400xi32, #tpu.memory_space<hbm>> -> memref<128xi32, #tpu.memory_space<hbm>>
          %dma_start3A_191 = tpu.memref_slice %arg5[%mul3A_175] : memref<102400xi32, #tpu.memory_space<hbm>> -> memref<128xi32, #tpu.memory_space<hbm>>
          tpu.enqueue_dma source(%dma_start3A_191 : memref<128xi32, #tpu.memory_space<hbm>>) target(%arg13 : memref<128xi32, #tpu.memory_space<vmem>>) target_semaphore(%run_scoped3A_189 : memref<!tpu.dma_semaphore, #tpu.memory_space<semaphore_mem>>)
          %dma_wait3A_192 = tpu.memref_slice %arg5[%mul3A_175] : memref<102400xi32, #tpu.memory_space<hbm>> -> memref<128xi32, #tpu.memory_space<hbm>>
          %dma_wait3A_193 = tpu.memref_slice %arg5[%mul3A_175] : memref<102400xi32, #tpu.memory_space<hbm>> -> memref<128xi32, #tpu.memory_space<hbm>>
          tpu.wait_dma2 semaphore(%run_scoped3A_189 : memref<!tpu.dma_semaphore, #tpu.memory_space<semaphore_mem>>) src(%dma_wait3A_193 : memref<128xi32, #tpu.memory_space<hbm>>) dst(%arg13 : memref<128xi32, #tpu.memory_space<vmem>>)
          tpu.yield
        }) : () -> ()
      } else {
      }
      %dma_start3A_183 = arith.constant 0 : i32
      %dma_start3A_184 = arith.constant 0 : i32
      %dma_start3A_185 = tpu.memref_slice %arg7[%dma_start3A_183, %dma_start3A_184] : memref<1000000x128xf32, #tpu.memory_space<hbm>> -> memref<1000000x128xf32, #tpu.memory_space<hbm>>
      tpu.enqueue_indirect_dma source(%dma_start3A_185 : memref<1000000x128xf32, #tpu.memory_space<hbm>>) target(%arg14 : memref<128x128xf32, #tpu.memory_space<vmem>>) offsets(%arg12 : memref<128xi32, #tpu.memory_space<vmem>>) semaphore(%arg16 : memref<!tpu.dma_semaphore, #tpu.memory_space<semaphore_mem>>)
      %dma_wait3A_186 = arith.constant 0 : i32
      %dma_wait3A_187 = arith.constant 0 : i32
      %dma_wait3A_188 = tpu.memref_slice %arg7[%dma_wait3A_186, %dma_wait3A_187] : memref<1000000x128xf32, #tpu.memory_space<hbm>> -> memref<1000000x128xf32, #tpu.memory_space<hbm>>
      tpu.wait_indirect_dma semaphore(%arg16 : memref<!tpu.dma_semaphore, #tpu.memory_space<semaphore_mem>>) src(%dma_wait3A_188 : memref<1000000x128xf32, #tpu.memory_space<hbm>>) dst(%arg14 : memref<128x128xf32, #tpu.memory_space<vmem>>)
      "tpu.region"() ({
        %run_scoped3A_189 = tpu.sem_alloc : memref<!tpu.dma_semaphore, #tpu.memory_space<semaphore_mem>>
        %dma_start3A_190 = arith.constant 0 : i32
        %dma_start3A_191 = arith.constant 0 : i32
        %dma_start3A_192 = tpu.memref_slice %arg15[%dma_start3A_190, %dma_start3A_191] : memref<12864x128xf32, #tpu.memory_space<vmem_shared>> -> memref<12864x128xf32, #tpu.memory_space<vmem_shared>>
        tpu.enqueue_indirect_dma source(%arg14 : memref<128x128xf32, #tpu.memory_space<vmem>>) target(%dma_start3A_192 : memref<12864x128xf32, #tpu.memory_space<vmem_shared>>) offsets(%arg13 : memref<128xi32, #tpu.memory_space<vmem>>) semaphore(%run_scoped3A_189 : memref<!tpu.dma_semaphore, #tpu.memory_space<semaphore_mem>>) {add = true}
        %dma_wait3A_193 = arith.constant 0 : i32
        %dma_wait3A_194 = arith.constant 0 : i32
        %dma_wait3A_195 = tpu.memref_slice %arg15[%dma_wait3A_193, %dma_wait3A_194] : memref<12864x128xf32, #tpu.memory_space<vmem_shared>> -> memref<12864x128xf32, #tpu.memory_space<vmem_shared>>
        tpu.wait_indirect_dma semaphore(%run_scoped3A_189 : memref<!tpu.dma_semaphore, #tpu.memory_space<semaphore_mem>>) src(%arg14 : memref<128x128xf32, #tpu.memory_space<vmem>>) dst(%dma_wait3A_195 : memref<12864x128xf32, #tpu.memory_space<vmem_shared>>)
        tpu.yield
      }) : () -> ()
    }
    %scan3A_9 = arith.constant 50 : i32
    %barrier3A_10 = arith.constant 0 : index
    tpu.barrier barrier_id(%barrier3A_10)
    %mul3A = arith.constant 2 : i32
    %mul3A_11 = arith.muli %mul3A, %arg0 : i32
    %add3A = arith.constant 0 : i32
    %add3A_12 = arith.addi %mul3A_11, %add3A : i32
    %mul3A_13 = arith.constant 12800 : i32
    %mul3A_14 = arith.muli %add3A_12, %mul3A_13 : i32
    %mul3A_15 = arith.constant 800 : i32
    %mul3A_16 = arith.muli %arg1, %mul3A_15 : i32
    %add3A_17 = arith.addi %mul3A_14, %mul3A_16 : i32
    %run_scoped3A_18 = arith.constant 0 : i32
    "tpu.region"() ({
      %run_scoped3A_166 = tpu.sem_alloc : memref<!tpu.dma_semaphore, #tpu.memory_space<semaphore_mem>>
      %dma_start3A_167 = arith.constant 0 : i32
      %dma_start3A_168 = tpu.memref_slice %arg10[%arg1, %run_scoped3A_18, %dma_start3A_167] : memref<16x1x896xi32, #tpu.memory_space<hbm>> -> memref<1x1x128xi32, #tpu.memory_space<hbm>>
      %dma_start3A_169 = tpu.memref_squeeze %dma_start3A_168 : memref<1x1x128xi32, #tpu.memory_space<hbm>> -> memref<128xi32, #tpu.memory_space<hbm>>
      %dma_start3A_170 = arith.constant 0 : i32
      %dma_start3A_171 = tpu.memref_slice %arg10[%arg1, %run_scoped3A_18, %dma_start3A_170] : memref<16x1x896xi32, #tpu.memory_space<hbm>> -> memref<1x1x128xi32, #tpu.memory_space<hbm>>
      %dma_start3A_172 = tpu.memref_squeeze %dma_start3A_171 : memref<1x1x128xi32, #tpu.memory_space<hbm>> -> memref<128xi32, #tpu.memory_space<hbm>>
      tpu.enqueue_dma source(%dma_start3A_172 : memref<128xi32, #tpu.memory_space<hbm>>) target(%arg13 : memref<128xi32, #tpu.memory_space<vmem>>) target_semaphore(%run_scoped3A_166 : memref<!tpu.dma_semaphore, #tpu.memory_space<semaphore_mem>>)
      %dma_wait3A_173 = arith.constant 0 : i32
      %dma_wait3A_174 = tpu.memref_slice %arg10[%arg1, %run_scoped3A_18, %dma_wait3A_173] : memref<16x1x896xi32, #tpu.memory_space<hbm>> -> memref<1x1x128xi32, #tpu.memory_space<hbm>>
      %dma_wait3A_175 = tpu.memref_squeeze %dma_wait3A_174 : memref<1x1x128xi32, #tpu.memory_space<hbm>> -> memref<128xi32, #tpu.memory_space<hbm>>
      %dma_wait3A_176 = arith.constant 0 : i32
      %dma_wait3A_177 = tpu.memref_slice %arg10[%arg1, %run_scoped3A_18, %dma_wait3A_176] : memref<16x1x896xi32, #tpu.memory_space<hbm>> -> memref<1x1x128xi32, #tpu.memory_space<hbm>>
      %dma_wait3A_178 = tpu.memref_squeeze %dma_wait3A_177 : memref<1x1x128xi32, #tpu.memory_space<hbm>> -> memref<128xi32, #tpu.memory_space<hbm>>
      tpu.wait_dma2 semaphore(%run_scoped3A_166 : memref<!tpu.dma_semaphore, #tpu.memory_space<semaphore_mem>>) src(%dma_wait3A_178 : memref<128xi32, #tpu.memory_space<hbm>>) dst(%arg13 : memref<128xi32, #tpu.memory_space<vmem>>)
      tpu.yield
    }) : () -> ()
    %dma_start3A = arith.constant 0 : i32
    %dma_start3A_19 = arith.constant 0 : i32
    %dma_start3A_20 = tpu.memref_slice %arg15[%dma_start3A, %dma_start3A_19] : memref<12864x128xf32, #tpu.memory_space<vmem_shared>> -> memref<12864x128xf32, #tpu.memory_space<vmem_shared>>
    tpu.enqueue_indirect_dma source(%dma_start3A_20 : memref<12864x128xf32, #tpu.memory_space<vmem_shared>>) target(%arg14 : memref<128x128xf32, #tpu.memory_space<vmem>>) offsets(%arg13 : memref<128xi32, #tpu.memory_space<vmem>>) semaphore(%arg16 : memref<!tpu.dma_semaphore, #tpu.memory_space<semaphore_mem>>)
    %dma_wait3A = arith.constant 0 : i32
    %dma_wait3A_21 = arith.constant 0 : i32
    %dma_wait3A_22 = tpu.memref_slice %arg15[%dma_wait3A, %dma_wait3A_21] : memref<12864x128xf32, #tpu.memory_space<vmem_shared>> -> memref<12864x128xf32, #tpu.memory_space<vmem_shared>>
    tpu.wait_indirect_dma semaphore(%arg16 : memref<!tpu.dma_semaphore, #tpu.memory_space<semaphore_mem>>) src(%dma_wait3A_22 : memref<12864x128xf32, #tpu.memory_space<vmem_shared>>) dst(%arg14 : memref<128x128xf32, #tpu.memory_space<vmem>>)
    %add3A_23 = arith.constant 0 : i32
    %add3A_24 = arith.addi %add3A_17, %add3A_23 : i32
    "tpu.region"() ({
      %run_scoped3A_166 = tpu.sem_alloc : memref<!tpu.dma_semaphore, #tpu.memory_space<semaphore_mem>>
      %dma_start3A_167 = arith.constant 0 : i32
      %dma_start3A_168 = tpu.memref_slice %arg11[%add3A_24, %dma_start3A_167] : memref<51200x128xf32, #tpu.memory_space<hbm>> -> memref<128x128xf32, #tpu.memory_space<hbm>>
      %dma_start3A_169 = arith.constant 0 : i32
      %dma_start3A_170 = tpu.memref_slice %arg11[%add3A_24, %dma_start3A_169] : memref<51200x128xf32, #tpu.memory_space<hbm>> -> memref<128x128xf32, #tpu.memory_space<hbm>>
      tpu.enqueue_dma source(%arg14 : memref<128x128xf32, #tpu.memory_space<vmem>>) target(%dma_start3A_170 : memref<128x128xf32, #tpu.memory_space<hbm>>) target_semaphore(%run_scoped3A_166 : memref<!tpu.dma_semaphore, #tpu.memory_space<semaphore_mem>>)
      %dma_wait3A_171 = arith.constant 0 : i32
      %dma_wait3A_172 = tpu.memref_slice %arg11[%add3A_24, %dma_wait3A_171] : memref<51200x128xf32, #tpu.memory_space<hbm>> -> memref<128x128xf32, #tpu.memory_space<hbm>>
      %dma_wait3A_173 = arith.constant 0 : i32
      %dma_wait3A_174 = tpu.memref_slice %arg11[%add3A_24, %dma_wait3A_173] : memref<51200x128xf32, #tpu.memory_space<hbm>> -> memref<128x128xf32, #tpu.memory_space<hbm>>
      tpu.wait_dma2 semaphore(%run_scoped3A_166 : memref<!tpu.dma_semaphore, #tpu.memory_space<semaphore_mem>>) src(%arg14 : memref<128x128xf32, #tpu.memory_space<vmem>>) dst(%dma_wait3A_174 : memref<128x128xf32, #tpu.memory_space<hbm>>)
      tpu.yield
    }) : () -> ()
    %run_scoped3A_25 = arith.constant 0 : i32
    "tpu.region"() ({
      %run_scoped3A_166 = tpu.sem_alloc : memref<!tpu.dma_semaphore, #tpu.memory_space<semaphore_mem>>
      %dma_start3A_167 = arith.constant 128 : i32
      %dma_start3A_168 = tpu.memref_slice %arg10[%arg1, %run_scoped3A_25, %dma_start3A_167] : memref<16x1x896xi32, #tpu.memory_space<hbm>> -> memref<1x1x128xi32, #tpu.memory_space<hbm>>
      %dma_start3A_169 = tpu.memref_squeeze %dma_start3A_168 : memref<1x1x128xi32, #tpu.memory_space<hbm>> -> memref<128xi32, #tpu.memory_space<hbm>>
      %dma_start3A_170 = arith.constant 128 : i32
      %dma_start3A_171 = tpu.memref_slice %arg10[%arg1, %run_scoped3A_25, %dma_start3A_170] : memref<16x1x896xi32, #tpu.memory_space<hbm>> -> memref<1x1x128xi32, #tpu.memory_space<hbm>>
      %dma_start3A_172 = tpu.memref_squeeze %dma_start3A_171 : memref<1x1x128xi32, #tpu.memory_space<hbm>> -> memref<128xi32, #tpu.memory_space<hbm>>
      tpu.enqueue_dma source(%dma_start3A_172 : memref<128xi32, #tpu.memory_space<hbm>>) target(%arg13 : memref<128xi32, #tpu.memory_space<vmem>>) target_semaphore(%run_scoped3A_166 : memref<!tpu.dma_semaphore, #tpu.memory_space<semaphore_mem>>)
      %dma_wait3A_173 = arith.constant 128 : i32
      %dma_wait3A_174 = tpu.memref_slice %arg10[%arg1, %run_scoped3A_25, %dma_wait3A_173] : memref<16x1x896xi32, #tpu.memory_space<hbm>> -> memref<1x1x128xi32, #tpu.memory_space<hbm>>
      %dma_wait3A_175 = tpu.memref_squeeze %dma_wait3A_174 : memref<1x1x128xi32, #tpu.memory_space<hbm>> -> memref<128xi32, #tpu.memory_space<hbm>>
      %dma_wait3A_176 = arith.constant 128 : i32
      %dma_wait3A_177 = tpu.memref_slice %arg10[%arg1, %run_scoped3A_25, %dma_wait3A_176] : memref<16x1x896xi32, #tpu.memory_space<hbm>> -> memref<1x1x128xi32, #tpu.memory_space<hbm>>
      %dma_wait3A_178 = tpu.memref_squeeze %dma_wait3A_177 : memref<1x1x128xi32, #tpu.memory_space<hbm>> -> memref<128xi32, #tpu.memory_space<hbm>>
      tpu.wait_dma2 semaphore(%run_scoped3A_166 : memref<!tpu.dma_semaphore, #tpu.memory_space<semaphore_mem>>) src(%dma_wait3A_178 : memref<128xi32, #tpu.memory_space<hbm>>) dst(%arg13 : memref<128xi32, #tpu.memory_space<vmem>>)
      tpu.yield
    }) : () -> ()
    %dma_start3A_26 = arith.constant 0 : i32
    %dma_start3A_27 = arith.constant 0 : i32
    %dma_start3A_28 = tpu.memref_slice %arg15[%dma_start3A_26, %dma_start3A_27] : memref<12864x128xf32, #tpu.memory_space<vmem_shared>> -> memref<12864x128xf32, #tpu.memory_space<vmem_shared>>
    tpu.enqueue_indirect_dma source(%dma_start3A_28 : memref<12864x128xf32, #tpu.memory_space<vmem_shared>>) target(%arg14 : memref<128x128xf32, #tpu.memory_space<vmem>>) offsets(%arg13 : memref<128xi32, #tpu.memory_space<vmem>>) semaphore(%arg16 : memref<!tpu.dma_semaphore, #tpu.memory_space<semaphore_mem>>)
    %dma_wait3A_29 = arith.constant 0 : i32
    %dma_wait3A_30 = arith.constant 0 : i32
    %dma_wait3A_31 = tpu.memref_slice %arg15[%dma_wait3A_29, %dma_wait3A_30] : memref<12864x128xf32, #tpu.memory_space<vmem_shared>> -> memref<12864x128xf32, #tpu.memory_space<vmem_shared>>
    tpu.wait_indirect_dma semaphore(%arg16 : memref<!tpu.dma_semaphore, #tpu.memory_space<semaphore_mem>>) src(%dma_wait3A_31 : memref<12864x128xf32, #tpu.memory_space<vmem_shared>>) dst(%arg14 : memref<128x128xf32, #tpu.memory_space<vmem>>)
    %add3A_32 = arith.constant 128 : i32
    %add3A_33 = arith.addi %add3A_17, %add3A_32 : i32
    "tpu.region"() ({
      %run_scoped3A_166 = tpu.sem_alloc : memref<!tpu.dma_semaphore, #tpu.memory_space<semaphore_mem>>
      %dma_start3A_167 = arith.constant 0 : i32
      %dma_start3A_168 = tpu.memref_slice %arg11[%add3A_33, %dma_start3A_167] : memref<51200x128xf32, #tpu.memory_space<hbm>> -> memref<128x128xf32, #tpu.memory_space<hbm>>
      %dma_start3A_169 = arith.constant 0 : i32
      %dma_start3A_170 = tpu.memref_slice %arg11[%add3A_33, %dma_start3A_169] : memref<51200x128xf32, #tpu.memory_space<hbm>> -> memref<128x128xf32, #tpu.memory_space<hbm>>
      tpu.enqueue_dma source(%arg14 : memref<128x128xf32, #tpu.memory_space<vmem>>) target(%dma_start3A_170 : memref<128x128xf32, #tpu.memory_space<hbm>>) target_semaphore(%run_scoped3A_166 : memref<!tpu.dma_semaphore, #tpu.memory_space<semaphore_mem>>)
      %dma_wait3A_171 = arith.constant 0 : i32
      %dma_wait3A_172 = tpu.memref_slice %arg11[%add3A_33, %dma_wait3A_171] : memref<51200x128xf32, #tpu.memory_space<hbm>> -> memref<128x128xf32, #tpu.memory_space<hbm>>
      %dma_wait3A_173 = arith.constant 0 : i32
      %dma_wait3A_174 = tpu.memref_slice %arg11[%add3A_33, %dma_wait3A_173] : memref<51200x128xf32, #tpu.memory_space<hbm>> -> memref<128x128xf32, #tpu.memory_space<hbm>>
      tpu.wait_dma2 semaphore(%run_scoped3A_166 : memref<!tpu.dma_semaphore, #tpu.memory_space<semaphore_mem>>) src(%arg14 : memref<128x128xf32, #tpu.memory_space<vmem>>) dst(%dma_wait3A_174 : memref<128x128xf32, #tpu.memory_space<hbm>>)
      tpu.yield
    }) : () -> ()
    %run_scoped3A_34 = arith.constant 0 : i32
    "tpu.region"() ({
      %run_scoped3A_166 = tpu.sem_alloc : memref<!tpu.dma_semaphore, #tpu.memory_space<semaphore_mem>>
      %dma_start3A_167 = arith.constant 256 : i32
      %dma_start3A_168 = tpu.memref_slice %arg10[%arg1, %run_scoped3A_34, %dma_start3A_167] : memref<16x1x896xi32, #tpu.memory_space<hbm>> -> memref<1x1x128xi32, #tpu.memory_space<hbm>>
      %dma_start3A_169 = tpu.memref_squeeze %dma_start3A_168 : memref<1x1x128xi32, #tpu.memory_space<hbm>> -> memref<128xi32, #tpu.memory_space<hbm>>
      %dma_start3A_170 = arith.constant 256 : i32
      %dma_start3A_171 = tpu.memref_slice %arg10[%arg1, %run_scoped3A_34, %dma_start3A_170] : memref<16x1x896xi32, #tpu.memory_space<hbm>> -> memref<1x1x128xi32, #tpu.memory_space<hbm>>
      %dma_start3A_172 = tpu.memref_squeeze %dma_start3A_171 : memref<1x1x128xi32, #tpu.memory_space<hbm>> -> memref<128xi32, #tpu.memory_space<hbm>>
      tpu.enqueue_dma source(%dma_start3A_172 : memref<128xi32, #tpu.memory_space<hbm>>) target(%arg13 : memref<128xi32, #tpu.memory_space<vmem>>) target_semaphore(%run_scoped3A_166 : memref<!tpu.dma_semaphore, #tpu.memory_space<semaphore_mem>>)
      %dma_wait3A_173 = arith.constant 256 : i32
      %dma_wait3A_174 = tpu.memref_slice %arg10[%arg1, %run_scoped3A_34, %dma_wait3A_173] : memref<16x1x896xi32, #tpu.memory_space<hbm>> -> memref<1x1x128xi32, #tpu.memory_space<hbm>>
      %dma_wait3A_175 = tpu.memref_squeeze %dma_wait3A_174 : memref<1x1x128xi32, #tpu.memory_space<hbm>> -> memref<128xi32, #tpu.memory_space<hbm>>
      %dma_wait3A_176 = arith.constant 256 : i32
      %dma_wait3A_177 = tpu.memref_slice %arg10[%arg1, %run_scoped3A_34, %dma_wait3A_176] : memref<16x1x896xi32, #tpu.memory_space<hbm>> -> memref<1x1x128xi32, #tpu.memory_space<hbm>>
      %dma_wait3A_178 = tpu.memref_squeeze %dma_wait3A_177 : memref<1x1x128xi32, #tpu.memory_space<hbm>> -> memref<128xi32, #tpu.memory_space<hbm>>
      tpu.wait_dma2 semaphore(%run_scoped3A_166 : memref<!tpu.dma_semaphore, #tpu.memory_space<semaphore_mem>>) src(%dma_wait3A_178 : memref<128xi32, #tpu.memory_space<hbm>>) dst(%arg13 : memref<128xi32, #tpu.memory_space<vmem>>)
      tpu.yield
    }) : () -> ()
    %dma_start3A_35 = arith.constant 0 : i32
    %dma_start3A_36 = arith.constant 0 : i32
    %dma_start3A_37 = tpu.memref_slice %arg15[%dma_start3A_35, %dma_start3A_36] : memref<12864x128xf32, #tpu.memory_space<vmem_shared>> -> memref<12864x128xf32, #tpu.memory_space<vmem_shared>>
    tpu.enqueue_indirect_dma source(%dma_start3A_37 : memref<12864x128xf32, #tpu.memory_space<vmem_shared>>) target(%arg14 : memref<128x128xf32, #tpu.memory_space<vmem>>) offsets(%arg13 : memref<128xi32, #tpu.memory_space<vmem>>) semaphore(%arg16 : memref<!tpu.dma_semaphore, #tpu.memory_space<semaphore_mem>>)
    %dma_wait3A_38 = arith.constant 0 : i32
    %dma_wait3A_39 = arith.constant 0 : i32
    %dma_wait3A_40 = tpu.memref_slice %arg15[%dma_wait3A_38, %dma_wait3A_39] : memref<12864x128xf32, #tpu.memory_space<vmem_shared>> -> memref<12864x128xf32, #tpu.memory_space<vmem_shared>>
    tpu.wait_indirect_dma semaphore(%arg16 : memref<!tpu.dma_semaphore, #tpu.memory_space<semaphore_mem>>) src(%dma_wait3A_40 : memref<12864x128xf32, #tpu.memory_space<vmem_shared>>) dst(%arg14 : memref<128x128xf32, #tpu.memory_space<vmem>>)
    %add3A_41 = arith.constant 256 : i32
    %add3A_42 = arith.addi %add3A_17, %add3A_41 : i32
    "tpu.region"() ({
      %run_scoped3A_166 = tpu.sem_alloc : memref<!tpu.dma_semaphore, #tpu.memory_space<semaphore_mem>>
      %dma_start3A_167 = arith.constant 0 : i32
      %dma_start3A_168 = tpu.memref_slice %arg11[%add3A_42, %dma_start3A_167] : memref<51200x128xf32, #tpu.memory_space<hbm>> -> memref<128x128xf32, #tpu.memory_space<hbm>>
      %dma_start3A_169 = arith.constant 0 : i32
      %dma_start3A_170 = tpu.memref_slice %arg11[%add3A_42, %dma_start3A_169] : memref<51200x128xf32, #tpu.memory_space<hbm>> -> memref<128x128xf32, #tpu.memory_space<hbm>>
      tpu.enqueue_dma source(%arg14 : memref<128x128xf32, #tpu.memory_space<vmem>>) target(%dma_start3A_170 : memref<128x128xf32, #tpu.memory_space<hbm>>) target_semaphore(%run_scoped3A_166 : memref<!tpu.dma_semaphore, #tpu.memory_space<semaphore_mem>>)
      %dma_wait3A_171 = arith.constant 0 : i32
      %dma_wait3A_172 = tpu.memref_slice %arg11[%add3A_42, %dma_wait3A_171] : memref<51200x128xf32, #tpu.memory_space<hbm>> -> memref<128x128xf32, #tpu.memory_space<hbm>>
      %dma_wait3A_173 = arith.constant 0 : i32
      %dma_wait3A_174 = tpu.memref_slice %arg11[%add3A_42, %dma_wait3A_173] : memref<51200x128xf32, #tpu.memory_space<hbm>> -> memref<128x128xf32, #tpu.memory_space<hbm>>
      tpu.wait_dma2 semaphore(%run_scoped3A_166 : memref<!tpu.dma_semaphore, #tpu.memory_space<semaphore_mem>>) src(%arg14 : memref<128x128xf32, #tpu.memory_space<vmem>>) dst(%dma_wait3A_174 : memref<128x128xf32, #tpu.memory_space<hbm>>)
      tpu.yield
    }) : () -> ()
    %run_scoped3A_43 = arith.constant 0 : i32
    "tpu.region"() ({
      %run_scoped3A_166 = tpu.sem_alloc : memref<!tpu.dma_semaphore, #tpu.memory_space<semaphore_mem>>
      %dma_start3A_167 = arith.constant 384 : i32
      %dma_start3A_168 = tpu.memref_slice %arg10[%arg1, %run_scoped3A_43, %dma_start3A_167] : memref<16x1x896xi32, #tpu.memory_space<hbm>> -> memref<1x1x128xi32, #tpu.memory_space<hbm>>
      %dma_start3A_169 = tpu.memref_squeeze %dma_start3A_168 : memref<1x1x128xi32, #tpu.memory_space<hbm>> -> memref<128xi32, #tpu.memory_space<hbm>>
      %dma_start3A_170 = arith.constant 384 : i32
      %dma_start3A_171 = tpu.memref_slice %arg10[%arg1, %run_scoped3A_43, %dma_start3A_170] : memref<16x1x896xi32, #tpu.memory_space<hbm>> -> memref<1x1x128xi32, #tpu.memory_space<hbm>>
      %dma_start3A_172 = tpu.memref_squeeze %dma_start3A_171 : memref<1x1x128xi32, #tpu.memory_space<hbm>> -> memref<128xi32, #tpu.memory_space<hbm>>
      tpu.enqueue_dma source(%dma_start3A_172 : memref<128xi32, #tpu.memory_space<hbm>>) target(%arg13 : memref<128xi32, #tpu.memory_space<vmem>>) target_semaphore(%run_scoped3A_166 : memref<!tpu.dma_semaphore, #tpu.memory_space<semaphore_mem>>)
      %dma_wait3A_173 = arith.constant 384 : i32
      %dma_wait3A_174 = tpu.memref_slice %arg10[%arg1, %run_scoped3A_43, %dma_wait3A_173] : memref<16x1x896xi32, #tpu.memory_space<hbm>> -> memref<1x1x128xi32, #tpu.memory_space<hbm>>
      %dma_wait3A_175 = tpu.memref_squeeze %dma_wait3A_174 : memref<1x1x128xi32, #tpu.memory_space<hbm>> -> memref<128xi32, #tpu.memory_space<hbm>>
      %dma_wait3A_176 = arith.constant 384 : i32
      %dma_wait3A_177 = tpu.memref_slice %arg10[%arg1, %run_scoped3A_43, %dma_wait3A_176] : memref<16x1x896xi32, #tpu.memory_space<hbm>> -> memref<1x1x128xi32, #tpu.memory_space<hbm>>
      %dma_wait3A_178 = tpu.memref_squeeze %dma_wait3A_177 : memref<1x1x128xi32, #tpu.memory_space<hbm>> -> memref<128xi32, #tpu.memory_space<hbm>>
      tpu.wait_dma2 semaphore(%run_scoped3A_166 : memref<!tpu.dma_semaphore, #tpu.memory_space<semaphore_mem>>) src(%dma_wait3A_178 : memref<128xi32, #tpu.memory_space<hbm>>) dst(%arg13 : memref<128xi32, #tpu.memory_space<vmem>>)
      tpu.yield
    }) : () -> ()
    %dma_start3A_44 = arith.constant 0 : i32
    %dma_start3A_45 = arith.constant 0 : i32
    %dma_start3A_46 = tpu.memref_slice %arg15[%dma_start3A_44, %dma_start3A_45] : memref<12864x128xf32, #tpu.memory_space<vmem_shared>> -> memref<12864x128xf32, #tpu.memory_space<vmem_shared>>
    tpu.enqueue_indirect_dma source(%dma_start3A_46 : memref<12864x128xf32, #tpu.memory_space<vmem_shared>>) target(%arg14 : memref<128x128xf32, #tpu.memory_space<vmem>>) offsets(%arg13 : memref<128xi32, #tpu.memory_space<vmem>>) semaphore(%arg16 : memref<!tpu.dma_semaphore, #tpu.memory_space<semaphore_mem>>)
    %dma_wait3A_47 = arith.constant 0 : i32
    %dma_wait3A_48 = arith.constant 0 : i32
    %dma_wait3A_49 = tpu.memref_slice %arg15[%dma_wait3A_47, %dma_wait3A_48] : memref<12864x128xf32, #tpu.memory_space<vmem_shared>> -> memref<12864x128xf32, #tpu.memory_space<vmem_shared>>
    tpu.wait_indirect_dma semaphore(%arg16 : memref<!tpu.dma_semaphore, #tpu.memory_space<semaphore_mem>>) src(%dma_wait3A_49 : memref<12864x128xf32, #tpu.memory_space<vmem_shared>>) dst(%arg14 : memref<128x128xf32, #tpu.memory_space<vmem>>)
    %add3A_50 = arith.constant 384 : i32
    %add3A_51 = arith.addi %add3A_17, %add3A_50 : i32
    "tpu.region"() ({
      %run_scoped3A_166 = tpu.sem_alloc : memref<!tpu.dma_semaphore, #tpu.memory_space<semaphore_mem>>
      %dma_start3A_167 = arith.constant 0 : i32
      %dma_start3A_168 = tpu.memref_slice %arg11[%add3A_51, %dma_start3A_167] : memref<51200x128xf32, #tpu.memory_space<hbm>> -> memref<128x128xf32, #tpu.memory_space<hbm>>
      %dma_start3A_169 = arith.constant 0 : i32
      %dma_start3A_170 = tpu.memref_slice %arg11[%add3A_51, %dma_start3A_169] : memref<51200x128xf32, #tpu.memory_space<hbm>> -> memref<128x128xf32, #tpu.memory_space<hbm>>
      tpu.enqueue_dma source(%arg14 : memref<128x128xf32, #tpu.memory_space<vmem>>) target(%dma_start3A_170 : memref<128x128xf32, #tpu.memory_space<hbm>>) target_semaphore(%run_scoped3A_166 : memref<!tpu.dma_semaphore, #tpu.memory_space<semaphore_mem>>)
      %dma_wait3A_171 = arith.constant 0 : i32
      %dma_wait3A_172 = tpu.memref_slice %arg11[%add3A_51, %dma_wait3A_171] : memref<51200x128xf32, #tpu.memory_space<hbm>> -> memref<128x128xf32, #tpu.memory_space<hbm>>
      %dma_wait3A_173 = arith.constant 0 : i32
      %dma_wait3A_174 = tpu.memref_slice %arg11[%add3A_51, %dma_wait3A_173] : memref<51200x128xf32, #tpu.memory_space<hbm>> -> memref<128x128xf32, #tpu.memory_space<hbm>>
      tpu.wait_dma2 semaphore(%run_scoped3A_166 : memref<!tpu.dma_semaphore, #tpu.memory_space<semaphore_mem>>) src(%arg14 : memref<128x128xf32, #tpu.memory_space<vmem>>) dst(%dma_wait3A_174 : memref<128x128xf32, #tpu.memory_space<hbm>>)
      tpu.yield
    }) : () -> ()
    %run_scoped3A_52 = arith.constant 0 : i32
    "tpu.region"() ({
      %run_scoped3A_166 = tpu.sem_alloc : memref<!tpu.dma_semaphore, #tpu.memory_space<semaphore_mem>>
      %dma_start3A_167 = arith.constant 512 : i32
      %dma_start3A_168 = tpu.memref_slice %arg10[%arg1, %run_scoped3A_52, %dma_start3A_167] : memref<16x1x896xi32, #tpu.memory_space<hbm>> -> memref<1x1x128xi32, #tpu.memory_space<hbm>>
      %dma_start3A_169 = tpu.memref_squeeze %dma_start3A_168 : memref<1x1x128xi32, #tpu.memory_space<hbm>> -> memref<128xi32, #tpu.memory_space<hbm>>
      %dma_start3A_170 = arith.constant 512 : i32
      %dma_start3A_171 = tpu.memref_slice %arg10[%arg1, %run_scoped3A_52, %dma_start3A_170] : memref<16x1x896xi32, #tpu.memory_space<hbm>> -> memref<1x1x128xi32, #tpu.memory_space<hbm>>
      %dma_start3A_172 = tpu.memref_squeeze %dma_start3A_171 : memref<1x1x128xi32, #tpu.memory_space<hbm>> -> memref<128xi32, #tpu.memory_space<hbm>>
      tpu.enqueue_dma source(%dma_start3A_172 : memref<128xi32, #tpu.memory_space<hbm>>) target(%arg13 : memref<128xi32, #tpu.memory_space<vmem>>) target_semaphore(%run_scoped3A_166 : memref<!tpu.dma_semaphore, #tpu.memory_space<semaphore_mem>>)
      %dma_wait3A_173 = arith.constant 512 : i32
      %dma_wait3A_174 = tpu.memref_slice %arg10[%arg1, %run_scoped3A_52, %dma_wait3A_173] : memref<16x1x896xi32, #tpu.memory_space<hbm>> -> memref<1x1x128xi32, #tpu.memory_space<hbm>>
      %dma_wait3A_175 = tpu.memref_squeeze %dma_wait3A_174 : memref<1x1x128xi32, #tpu.memory_space<hbm>> -> memref<128xi32, #tpu.memory_space<hbm>>
      %dma_wait3A_176 = arith.constant 512 : i32
      %dma_wait3A_177 = tpu.memref_slice %arg10[%arg1, %run_scoped3A_52, %dma_wait3A_176] : memref<16x1x896xi32, #tpu.memory_space<hbm>> -> memref<1x1x128xi32, #tpu.memory_space<hbm>>
      %dma_wait3A_178 = tpu.memref_squeeze %dma_wait3A_177 : memref<1x1x128xi32, #tpu.memory_space<hbm>> -> memref<128xi32, #tpu.memory_space<hbm>>
      tpu.wait_dma2 semaphore(%run_scoped3A_166 : memref<!tpu.dma_semaphore, #tpu.memory_space<semaphore_mem>>) src(%dma_wait3A_178 : memref<128xi32, #tpu.memory_space<hbm>>) dst(%arg13 : memref<128xi32, #tpu.memory_space<vmem>>)
      tpu.yield
    }) : () -> ()
    %dma_start3A_53 = arith.constant 0 : i32
    %dma_start3A_54 = arith.constant 0 : i32
    %dma_start3A_55 = tpu.memref_slice %arg15[%dma_start3A_53, %dma_start3A_54] : memref<12864x128xf32, #tpu.memory_space<vmem_shared>> -> memref<12864x128xf32, #tpu.memory_space<vmem_shared>>
    tpu.enqueue_indirect_dma source(%dma_start3A_55 : memref<12864x128xf32, #tpu.memory_space<vmem_shared>>) target(%arg14 : memref<128x128xf32, #tpu.memory_space<vmem>>) offsets(%arg13 : memref<128xi32, #tpu.memory_space<vmem>>) semaphore(%arg16 : memref<!tpu.dma_semaphore, #tpu.memory_space<semaphore_mem>>)
    %dma_wait3A_56 = arith.constant 0 : i32
    %dma_wait3A_57 = arith.constant 0 : i32
    %dma_wait3A_58 = tpu.memref_slice %arg15[%dma_wait3A_56, %dma_wait3A_57] : memref<12864x128xf32, #tpu.memory_space<vmem_shared>> -> memref<12864x128xf32, #tpu.memory_space<vmem_shared>>
    tpu.wait_indirect_dma semaphore(%arg16 : memref<!tpu.dma_semaphore, #tpu.memory_space<semaphore_mem>>) src(%dma_wait3A_58 : memref<12864x128xf32, #tpu.memory_space<vmem_shared>>) dst(%arg14 : memref<128x128xf32, #tpu.memory_space<vmem>>)
    %add3A_59 = arith.constant 512 : i32
    %add3A_60 = arith.addi %add3A_17, %add3A_59 : i32
    "tpu.region"() ({
      %run_scoped3A_166 = tpu.sem_alloc : memref<!tpu.dma_semaphore, #tpu.memory_space<semaphore_mem>>
      %dma_start3A_167 = arith.constant 0 : i32
      %dma_start3A_168 = tpu.memref_slice %arg11[%add3A_60, %dma_start3A_167] : memref<51200x128xf32, #tpu.memory_space<hbm>> -> memref<128x128xf32, #tpu.memory_space<hbm>>
      %dma_start3A_169 = arith.constant 0 : i32
      %dma_start3A_170 = tpu.memref_slice %arg11[%add3A_60, %dma_start3A_169] : memref<51200x128xf32, #tpu.memory_space<hbm>> -> memref<128x128xf32, #tpu.memory_space<hbm>>
      tpu.enqueue_dma source(%arg14 : memref<128x128xf32, #tpu.memory_space<vmem>>) target(%dma_start3A_170 : memref<128x128xf32, #tpu.memory_space<hbm>>) target_semaphore(%run_scoped3A_166 : memref<!tpu.dma_semaphore, #tpu.memory_space<semaphore_mem>>)
      %dma_wait3A_171 = arith.constant 0 : i32
      %dma_wait3A_172 = tpu.memref_slice %arg11[%add3A_60, %dma_wait3A_171] : memref<51200x128xf32, #tpu.memory_space<hbm>> -> memref<128x128xf32, #tpu.memory_space<hbm>>
      %dma_wait3A_173 = arith.constant 0 : i32
      %dma_wait3A_174 = tpu.memref_slice %arg11[%add3A_60, %dma_wait3A_173] : memref<51200x128xf32, #tpu.memory_space<hbm>> -> memref<128x128xf32, #tpu.memory_space<hbm>>
      tpu.wait_dma2 semaphore(%run_scoped3A_166 : memref<!tpu.dma_semaphore, #tpu.memory_space<semaphore_mem>>) src(%arg14 : memref<128x128xf32, #tpu.memory_space<vmem>>) dst(%dma_wait3A_174 : memref<128x128xf32, #tpu.memory_space<hbm>>)
      tpu.yield
    }) : () -> ()
    %run_scoped3A_61 = arith.constant 0 : i32
    "tpu.region"() ({
      %run_scoped3A_166 = tpu.sem_alloc : memref<!tpu.dma_semaphore, #tpu.memory_space<semaphore_mem>>
      %dma_start3A_167 = arith.constant 640 : i32
      %dma_start3A_168 = tpu.memref_slice %arg10[%arg1, %run_scoped3A_61, %dma_start3A_167] : memref<16x1x896xi32, #tpu.memory_space<hbm>> -> memref<1x1x128xi32, #tpu.memory_space<hbm>>
      %dma_start3A_169 = tpu.memref_squeeze %dma_start3A_168 : memref<1x1x128xi32, #tpu.memory_space<hbm>> -> memref<128xi32, #tpu.memory_space<hbm>>
      %dma_start3A_170 = arith.constant 640 : i32
      %dma_start3A_171 = tpu.memref_slice %arg10[%arg1, %run_scoped3A_61, %dma_start3A_170] : memref<16x1x896xi32, #tpu.memory_space<hbm>> -> memref<1x1x128xi32, #tpu.memory_space<hbm>>
      %dma_start3A_172 = tpu.memref_squeeze %dma_start3A_171 : memref<1x1x128xi32, #tpu.memory_space<hbm>> -> memref<128xi32, #tpu.memory_space<hbm>>
      tpu.enqueue_dma source(%dma_start3A_172 : memref<128xi32, #tpu.memory_space<hbm>>) target(%arg13 : memref<128xi32, #tpu.memory_space<vmem>>) target_semaphore(%run_scoped3A_166 : memref<!tpu.dma_semaphore, #tpu.memory_space<semaphore_mem>>)
      %dma_wait3A_173 = arith.constant 640 : i32
      %dma_wait3A_174 = tpu.memref_slice %arg10[%arg1, %run_scoped3A_61, %dma_wait3A_173] : memref<16x1x896xi32, #tpu.memory_space<hbm>> -> memref<1x1x128xi32, #tpu.memory_space<hbm>>
      %dma_wait3A_175 = tpu.memref_squeeze %dma_wait3A_174 : memref<1x1x128xi32, #tpu.memory_space<hbm>> -> memref<128xi32, #tpu.memory_space<hbm>>
      %dma_wait3A_176 = arith.constant 640 : i32
      %dma_wait3A_177 = tpu.memref_slice %arg10[%arg1, %run_scoped3A_61, %dma_wait3A_176] : memref<16x1x896xi32, #tpu.memory_space<hbm>> -> memref<1x1x128xi32, #tpu.memory_space<hbm>>
      %dma_wait3A_178 = tpu.memref_squeeze %dma_wait3A_177 : memref<1x1x128xi32, #tpu.memory_space<hbm>> -> memref<128xi32, #tpu.memory_space<hbm>>
      tpu.wait_dma2 semaphore(%run_scoped3A_166 : memref<!tpu.dma_semaphore, #tpu.memory_space<semaphore_mem>>) src(%dma_wait3A_178 : memref<128xi32, #tpu.memory_space<hbm>>) dst(%arg13 : memref<128xi32, #tpu.memory_space<vmem>>)
      tpu.yield
    }) : () -> ()
    %dma_start3A_62 = arith.constant 0 : i32
    %dma_start3A_63 = arith.constant 0 : i32
    %dma_start3A_64 = tpu.memref_slice %arg15[%dma_start3A_62, %dma_start3A_63] : memref<12864x128xf32, #tpu.memory_space<vmem_shared>> -> memref<12864x128xf32, #tpu.memory_space<vmem_shared>>
    tpu.enqueue_indirect_dma source(%dma_start3A_64 : memref<12864x128xf32, #tpu.memory_space<vmem_shared>>) target(%arg14 : memref<128x128xf32, #tpu.memory_space<vmem>>) offsets(%arg13 : memref<128xi32, #tpu.memory_space<vmem>>) semaphore(%arg16 : memref<!tpu.dma_semaphore, #tpu.memory_space<semaphore_mem>>)
    %dma_wait3A_65 = arith.constant 0 : i32
    %dma_wait3A_66 = arith.constant 0 : i32
    %dma_wait3A_67 = tpu.memref_slice %arg15[%dma_wait3A_65, %dma_wait3A_66] : memref<12864x128xf32, #tpu.memory_space<vmem_shared>> -> memref<12864x128xf32, #tpu.memory_space<vmem_shared>>
    tpu.wait_indirect_dma semaphore(%arg16 : memref<!tpu.dma_semaphore, #tpu.memory_space<semaphore_mem>>) src(%dma_wait3A_67 : memref<12864x128xf32, #tpu.memory_space<vmem_shared>>) dst(%arg14 : memref<128x128xf32, #tpu.memory_space<vmem>>)
    %add3A_68 = arith.constant 640 : i32
    %add3A_69 = arith.addi %add3A_17, %add3A_68 : i32
    "tpu.region"() ({
      %run_scoped3A_166 = tpu.sem_alloc : memref<!tpu.dma_semaphore, #tpu.memory_space<semaphore_mem>>
      %dma_start3A_167 = arith.constant 0 : i32
      %dma_start3A_168 = tpu.memref_slice %arg11[%add3A_69, %dma_start3A_167] : memref<51200x128xf32, #tpu.memory_space<hbm>> -> memref<128x128xf32, #tpu.memory_space<hbm>>
      %dma_start3A_169 = arith.constant 0 : i32
      %dma_start3A_170 = tpu.memref_slice %arg11[%add3A_69, %dma_start3A_169] : memref<51200x128xf32, #tpu.memory_space<hbm>> -> memref<128x128xf32, #tpu.memory_space<hbm>>
      tpu.enqueue_dma source(%arg14 : memref<128x128xf32, #tpu.memory_space<vmem>>) target(%dma_start3A_170 : memref<128x128xf32, #tpu.memory_space<hbm>>) target_semaphore(%run_scoped3A_166 : memref<!tpu.dma_semaphore, #tpu.memory_space<semaphore_mem>>)
      %dma_wait3A_171 = arith.constant 0 : i32
      %dma_wait3A_172 = tpu.memref_slice %arg11[%add3A_69, %dma_wait3A_171] : memref<51200x128xf32, #tpu.memory_space<hbm>> -> memref<128x128xf32, #tpu.memory_space<hbm>>
      %dma_wait3A_173 = arith.constant 0 : i32
      %dma_wait3A_174 = tpu.memref_slice %arg11[%add3A_69, %dma_wait3A_173] : memref<51200x128xf32, #tpu.memory_space<hbm>> -> memref<128x128xf32, #tpu.memory_space<hbm>>
      tpu.wait_dma2 semaphore(%run_scoped3A_166 : memref<!tpu.dma_semaphore, #tpu.memory_space<semaphore_mem>>) src(%arg14 : memref<128x128xf32, #tpu.memory_space<vmem>>) dst(%dma_wait3A_174 : memref<128x128xf32, #tpu.memory_space<hbm>>)
      tpu.yield
    }) : () -> ()
    %run_scoped3A_70 = arith.constant 0 : i32
    "tpu.region"() ({
      %run_scoped3A_166 = tpu.sem_alloc : memref<!tpu.dma_semaphore, #tpu.memory_space<semaphore_mem>>
      %dma_start3A_167 = arith.constant 768 : i32
      %dma_start3A_168 = tpu.memref_slice %arg10[%arg1, %run_scoped3A_70, %dma_start3A_167] : memref<16x1x896xi32, #tpu.memory_space<hbm>> -> memref<1x1x128xi32, #tpu.memory_space<hbm>>
      %dma_start3A_169 = tpu.memref_squeeze %dma_start3A_168 : memref<1x1x128xi32, #tpu.memory_space<hbm>> -> memref<128xi32, #tpu.memory_space<hbm>>
      %dma_start3A_170 = arith.constant 768 : i32
      %dma_start3A_171 = tpu.memref_slice %arg10[%arg1, %run_scoped3A_70, %dma_start3A_170] : memref<16x1x896xi32, #tpu.memory_space<hbm>> -> memref<1x1x128xi32, #tpu.memory_space<hbm>>
      %dma_start3A_172 = tpu.memref_squeeze %dma_start3A_171 : memref<1x1x128xi32, #tpu.memory_space<hbm>> -> memref<128xi32, #tpu.memory_space<hbm>>
      tpu.enqueue_dma source(%dma_start3A_172 : memref<128xi32, #tpu.memory_space<hbm>>) target(%arg13 : memref<128xi32, #tpu.memory_space<vmem>>) target_semaphore(%run_scoped3A_166 : memref<!tpu.dma_semaphore, #tpu.memory_space<semaphore_mem>>)
      %dma_wait3A_173 = arith.constant 768 : i32
      %dma_wait3A_174 = tpu.memref_slice %arg10[%arg1, %run_scoped3A_70, %dma_wait3A_173] : memref<16x1x896xi32, #tpu.memory_space<hbm>> -> memref<1x1x128xi32, #tpu.memory_space<hbm>>
      %dma_wait3A_175 = tpu.memref_squeeze %dma_wait3A_174 : memref<1x1x128xi32, #tpu.memory_space<hbm>> -> memref<128xi32, #tpu.memory_space<hbm>>
      %dma_wait3A_176 = arith.constant 768 : i32
      %dma_wait3A_177 = tpu.memref_slice %arg10[%arg1, %run_scoped3A_70, %dma_wait3A_176] : memref<16x1x896xi32, #tpu.memory_space<hbm>> -> memref<1x1x128xi32, #tpu.memory_space<hbm>>
      %dma_wait3A_178 = tpu.memref_squeeze %dma_wait3A_177 : memref<1x1x128xi32, #tpu.memory_space<hbm>> -> memref<128xi32, #tpu.memory_space<hbm>>
      tpu.wait_dma2 semaphore(%run_scoped3A_166 : memref<!tpu.dma_semaphore, #tpu.memory_space<semaphore_mem>>) src(%dma_wait3A_178 : memref<128xi32, #tpu.memory_space<hbm>>) dst(%arg13 : memref<128xi32, #tpu.memory_space<vmem>>)
      tpu.yield
    }) : () -> ()
    %dma_start3A_71 = arith.constant 0 : i32
    %dma_start3A_72 = arith.constant 0 : i32
    %dma_start3A_73 = tpu.memref_slice %arg15[%dma_start3A_71, %dma_start3A_72] : memref<12864x128xf32, #tpu.memory_space<vmem_shared>> -> memref<12864x128xf32, #tpu.memory_space<vmem_shared>>
    tpu.enqueue_indirect_dma source(%dma_start3A_73 : memref<12864x128xf32, #tpu.memory_space<vmem_shared>>) target(%arg14 : memref<128x128xf32, #tpu.memory_space<vmem>>) offsets(%arg13 : memref<128xi32, #tpu.memory_space<vmem>>) semaphore(%arg16 : memref<!tpu.dma_semaphore, #tpu.memory_space<semaphore_mem>>)
    %dma_wait3A_74 = arith.constant 0 : i32
    %dma_wait3A_75 = arith.constant 0 : i32
    %dma_wait3A_76 = tpu.memref_slice %arg15[%dma_wait3A_74, %dma_wait3A_75] : memref<12864x128xf32, #tpu.memory_space<vmem_shared>> -> memref<12864x128xf32, #tpu.memory_space<vmem_shared>>
    tpu.wait_indirect_dma semaphore(%arg16 : memref<!tpu.dma_semaphore, #tpu.memory_space<semaphore_mem>>) src(%dma_wait3A_76 : memref<12864x128xf32, #tpu.memory_space<vmem_shared>>) dst(%arg14 : memref<128x128xf32, #tpu.memory_space<vmem>>)
    %add3A_77 = arith.constant 768 : i32
    %add3A_78 = arith.addi %add3A_17, %add3A_77 : i32
    "tpu.region"() ({
      %run_scoped3A_166 = tpu.sem_alloc : memref<!tpu.dma_semaphore, #tpu.memory_space<semaphore_mem>>
      %dma_start3A_167 = arith.constant 0 : i32
      %dma_start3A_168 = arith.constant 0 : i32
      %dma_start3A_169 = tpu.memref_slice %arg14[%dma_start3A_167, %dma_start3A_168] : memref<128x128xf32, #tpu.memory_space<vmem>> -> memref<32x128xf32, #tpu.memory_space<vmem>>
      %dma_start3A_170 = arith.constant 0 : i32
      %dma_start3A_171 = tpu.memref_slice %arg11[%add3A_78, %dma_start3A_170] : memref<51200x128xf32, #tpu.memory_space<hbm>> -> memref<32x128xf32, #tpu.memory_space<hbm>>
      %dma_start3A_172 = arith.constant 0 : i32
      %dma_start3A_173 = tpu.memref_slice %arg11[%add3A_78, %dma_start3A_172] : memref<51200x128xf32, #tpu.memory_space<hbm>> -> memref<32x128xf32, #tpu.memory_space<hbm>>
      %dma_start3A_174 = arith.constant 0 : i32
      %dma_start3A_175 = arith.constant 0 : i32
      %dma_start3A_176 = tpu.memref_slice %arg14[%dma_start3A_174, %dma_start3A_175] : memref<128x128xf32, #tpu.memory_space<vmem>> -> memref<32x128xf32, #tpu.memory_space<vmem>>
      tpu.enqueue_dma source(%dma_start3A_176 : memref<32x128xf32, #tpu.memory_space<vmem>>) target(%dma_start3A_173 : memref<32x128xf32, #tpu.memory_space<hbm>>) target_semaphore(%run_scoped3A_166 : memref<!tpu.dma_semaphore, #tpu.memory_space<semaphore_mem>>)
      %dma_wait3A_177 = arith.constant 0 : i32
      %dma_wait3A_178 = arith.constant 0 : i32
      %dma_wait3A_179 = tpu.memref_slice %arg14[%dma_wait3A_177, %dma_wait3A_178] : memref<128x128xf32, #tpu.memory_space<vmem>> -> memref<32x128xf32, #tpu.memory_space<vmem>>
      %dma_wait3A_180 = arith.constant 0 : i32
      %dma_wait3A_181 = tpu.memref_slice %arg11[%add3A_78, %dma_wait3A_180] : memref<51200x128xf32, #tpu.memory_space<hbm>> -> memref<32x128xf32, #tpu.memory_space<hbm>>
      %dma_wait3A_182 = arith.constant 0 : i32
      %dma_wait3A_183 = tpu.memref_slice %arg11[%add3A_78, %dma_wait3A_182] : memref<51200x128xf32, #tpu.memory_space<hbm>> -> memref<32x128xf32, #tpu.memory_space<hbm>>
      %dma_wait3A_184 = arith.constant 0 : i32
      %dma_wait3A_185 = arith.constant 0 : i32
      %dma_wait3A_186 = tpu.memref_slice %arg14[%dma_wait3A_184, %dma_wait3A_185] : memref<128x128xf32, #tpu.memory_space<vmem>> -> memref<32x128xf32, #tpu.memory_space<vmem>>
      tpu.wait_dma2 semaphore(%run_scoped3A_166 : memref<!tpu.dma_semaphore, #tpu.memory_space<semaphore_mem>>) src(%dma_wait3A_186 : memref<32x128xf32, #tpu.memory_space<vmem>>) dst(%dma_wait3A_183 : memref<32x128xf32, #tpu.memory_space<hbm>>)
      tpu.yield
    }) : () -> ()
    %barrier3A_79 = arith.constant 0 : index
    tpu.barrier barrier_id(%barrier3A_79)
    "tpu.region"() ({
      %run_scoped3A_166 = tpu.sem_alloc : memref<!tpu.dma_semaphore, #tpu.memory_space<semaphore_mem>>
      tpu.enqueue_dma source(%arg8 : memref<128x128xf32, #tpu.memory_space<hbm>>) target(%arg14 : memref<128x128xf32, #tpu.memory_space<vmem>>) target_semaphore(%run_scoped3A_166 : memref<!tpu.dma_semaphore, #tpu.memory_space<semaphore_mem>>)
      tpu.wait_dma2 semaphore(%run_scoped3A_166 : memref<!tpu.dma_semaphore, #tpu.memory_space<semaphore_mem>>) src(%arg8 : memref<128x128xf32, #tpu.memory_space<hbm>>) dst(%arg14 : memref<128x128xf32, #tpu.memory_space<vmem>>)
      tpu.yield
    }) : () -> ()
    %run_scoped3A_80 = arith.constant 0 : i32
    "tpu.region"() ({
      %run_scoped3A_166 = tpu.sem_alloc : memref<!tpu.dma_semaphore, #tpu.memory_space<semaphore_mem>>
      %dma_start3A_167 = arith.constant 0 : i32
      %dma_start3A_168 = tpu.memref_slice %arg9[%arg1, %run_scoped3A_80, %dma_start3A_167] : memref<16x1x896xi32, #tpu.memory_space<hbm>> -> memref<1x1x128xi32, #tpu.memory_space<hbm>>
      %dma_start3A_169 = tpu.memref_squeeze %dma_start3A_168 : memref<1x1x128xi32, #tpu.memory_space<hbm>> -> memref<128xi32, #tpu.memory_space<hbm>>
      %dma_start3A_170 = arith.constant 0 : i32
      %dma_start3A_171 = tpu.memref_slice %arg9[%arg1, %run_scoped3A_80, %dma_start3A_170] : memref<16x1x896xi32, #tpu.memory_space<hbm>> -> memref<1x1x128xi32, #tpu.memory_space<hbm>>
      %dma_start3A_172 = tpu.memref_squeeze %dma_start3A_171 : memref<1x1x128xi32, #tpu.memory_space<hbm>> -> memref<128xi32, #tpu.memory_space<hbm>>
      tpu.enqueue_dma source(%dma_start3A_172 : memref<128xi32, #tpu.memory_space<hbm>>) target(%arg13 : memref<128xi32, #tpu.memory_space<vmem>>) target_semaphore(%run_scoped3A_166 : memref<!tpu.dma_semaphore, #tpu.memory_space<semaphore_mem>>)
      %dma_wait3A_173 = arith.constant 0 : i32
      %dma_wait3A_174 = tpu.memref_slice %arg9[%arg1, %run_scoped3A_80, %dma_wait3A_173] : memref<16x1x896xi32, #tpu.memory_space<hbm>> -> memref<1x1x128xi32, #tpu.memory_space<hbm>>
      %dma_wait3A_175 = tpu.memref_squeeze %dma_wait3A_174 : memref<1x1x128xi32, #tpu.memory_space<hbm>> -> memref<128xi32, #tpu.memory_space<hbm>>
      %dma_wait3A_176 = arith.constant 0 : i32
      %dma_wait3A_177 = tpu.memref_slice %arg9[%arg1, %run_scoped3A_80, %dma_wait3A_176] : memref<16x1x896xi32, #tpu.memory_space<hbm>> -> memref<1x1x128xi32, #tpu.memory_space<hbm>>
      %dma_wait3A_178 = tpu.memref_squeeze %dma_wait3A_177 : memref<1x1x128xi32, #tpu.memory_space<hbm>> -> memref<128xi32, #tpu.memory_space<hbm>>
      tpu.wait_dma2 semaphore(%run_scoped3A_166 : memref<!tpu.dma_semaphore, #tpu.memory_space<semaphore_mem>>) src(%dma_wait3A_178 : memref<128xi32, #tpu.memory_space<hbm>>) dst(%arg13 : memref<128xi32, #tpu.memory_space<vmem>>)
      tpu.yield
    }) : () -> ()
    "tpu.region"() ({
      %run_scoped3A_166 = tpu.sem_alloc : memref<!tpu.dma_semaphore, #tpu.memory_space<semaphore_mem>>
      %dma_start3A_167 = arith.constant 0 : i32
      %dma_start3A_168 = arith.constant 0 : i32
      %dma_start3A_169 = tpu.memref_slice %arg15[%dma_start3A_167, %dma_start3A_168] : memref<12864x128xf32, #tpu.memory_space<vmem_shared>> -> memref<12864x128xf32, #tpu.memory_space<vmem_shared>>
      tpu.enqueue_indirect_dma source(%arg14 : memref<128x128xf32, #tpu.memory_space<vmem>>) target(%dma_start3A_169 : memref<12864x128xf32, #tpu.memory_space<vmem_shared>>) offsets(%arg13 : memref<128xi32, #tpu.memory_space<vmem>>) semaphore(%run_scoped3A_166 : memref<!tpu.dma_semaphore, #tpu.memory_space<semaphore_mem>>)
      %dma_wait3A_170 = arith.constant 0 : i32
      %dma_wait3A_171 = arith.constant 0 : i32
      %dma_wait3A_172 = tpu.memref_slice %arg15[%dma_wait3A_170, %dma_wait3A_171] : memref<12864x128xf32, #tpu.memory_space<vmem_shared>> -> memref<12864x128xf32, #tpu.memory_space<vmem_shared>>
      tpu.wait_indirect_dma semaphore(%run_scoped3A_166 : memref<!tpu.dma_semaphore, #tpu.memory_space<semaphore_mem>>) src(%arg14 : memref<128x128xf32, #tpu.memory_space<vmem>>) dst(%dma_wait3A_172 : memref<12864x128xf32, #tpu.memory_space<vmem_shared>>)
      tpu.yield
    }) : () -> ()
    %run_scoped3A_81 = arith.constant 0 : i32
    "tpu.region"() ({
      %run_scoped3A_166 = tpu.sem_alloc : memref<!tpu.dma_semaphore, #tpu.memory_space<semaphore_mem>>
      %dma_start3A_167 = arith.constant 128 : i32
      %dma_start3A_168 = tpu.memref_slice %arg9[%arg1, %run_scoped3A_81, %dma_start3A_167] : memref<16x1x896xi32, #tpu.memory_space<hbm>> -> memref<1x1x128xi32, #tpu.memory_space<hbm>>
      %dma_start3A_169 = tpu.memref_squeeze %dma_start3A_168 : memref<1x1x128xi32, #tpu.memory_space<hbm>> -> memref<128xi32, #tpu.memory_space<hbm>>
      %dma_start3A_170 = arith.constant 128 : i32
      %dma_start3A_171 = tpu.memref_slice %arg9[%arg1, %run_scoped3A_81, %dma_start3A_170] : memref<16x1x896xi32, #tpu.memory_space<hbm>> -> memref<1x1x128xi32, #tpu.memory_space<hbm>>
      %dma_start3A_172 = tpu.memref_squeeze %dma_start3A_171 : memref<1x1x128xi32, #tpu.memory_space<hbm>> -> memref<128xi32, #tpu.memory_space<hbm>>
      tpu.enqueue_dma source(%dma_start3A_172 : memref<128xi32, #tpu.memory_space<hbm>>) target(%arg13 : memref<128xi32, #tpu.memory_space<vmem>>) target_semaphore(%run_scoped3A_166 : memref<!tpu.dma_semaphore, #tpu.memory_space<semaphore_mem>>)
      %dma_wait3A_173 = arith.constant 128 : i32
      %dma_wait3A_174 = tpu.memref_slice %arg9[%arg1, %run_scoped3A_81, %dma_wait3A_173] : memref<16x1x896xi32, #tpu.memory_space<hbm>> -> memref<1x1x128xi32, #tpu.memory_space<hbm>>
      %dma_wait3A_175 = tpu.memref_squeeze %dma_wait3A_174 : memref<1x1x128xi32, #tpu.memory_space<hbm>> -> memref<128xi32, #tpu.memory_space<hbm>>
      %dma_wait3A_176 = arith.constant 128 : i32
      %dma_wait3A_177 = tpu.memref_slice %arg9[%arg1, %run_scoped3A_81, %dma_wait3A_176] : memref<16x1x896xi32, #tpu.memory_space<hbm>> -> memref<1x1x128xi32, #tpu.memory_space<hbm>>
      %dma_wait3A_178 = tpu.memref_squeeze %dma_wait3A_177 : memref<1x1x128xi32, #tpu.memory_space<hbm>> -> memref<128xi32, #tpu.memory_space<hbm>>
      tpu.wait_dma2 semaphore(%run_scoped3A_166 : memref<!tpu.dma_semaphore, #tpu.memory_space<semaphore_mem>>) src(%dma_wait3A_178 : memref<128xi32, #tpu.memory_space<hbm>>) dst(%arg13 : memref<128xi32, #tpu.memory_space<vmem>>)
      tpu.yield
    }) : () -> ()
    "tpu.region"() ({
      %run_scoped3A_166 = tpu.sem_alloc : memref<!tpu.dma_semaphore, #tpu.memory_space<semaphore_mem>>
      %dma_start3A_167 = arith.constant 0 : i32
      %dma_start3A_168 = arith.constant 0 : i32
      %dma_start3A_169 = tpu.memref_slice %arg15[%dma_start3A_167, %dma_start3A_168] : memref<12864x128xf32, #tpu.memory_space<vmem_shared>> -> memref<12864x128xf32, #tpu.memory_space<vmem_shared>>
      tpu.enqueue_indirect_dma source(%arg14 : memref<128x128xf32, #tpu.memory_space<vmem>>) target(%dma_start3A_169 : memref<12864x128xf32, #tpu.memory_space<vmem_shared>>) offsets(%arg13 : memref<128xi32, #tpu.memory_space<vmem>>) semaphore(%run_scoped3A_166 : memref<!tpu.dma_semaphore, #tpu.memory_space<semaphore_mem>>)
      %dma_wait3A_170 = arith.constant 0 : i32
      %dma_wait3A_171 = arith.constant 0 : i32
      %dma_wait3A_172 = tpu.memref_slice %arg15[%dma_wait3A_170, %dma_wait3A_171] : memref<12864x128xf32, #tpu.memory_space<vmem_shared>> -> memref<12864x128xf32, #tpu.memory_space<vmem_shared>>
      tpu.wait_indirect_dma semaphore(%run_scoped3A_166 : memref<!tpu.dma_semaphore, #tpu.memory_space<semaphore_mem>>) src(%arg14 : memref<128x128xf32, #tpu.memory_space<vmem>>) dst(%dma_wait3A_172 : memref<12864x128xf32, #tpu.memory_space<vmem_shared>>)
      tpu.yield
    }) : () -> ()
    %run_scoped3A_82 = arith.constant 0 : i32
    "tpu.region"() ({
      %run_scoped3A_166 = tpu.sem_alloc : memref<!tpu.dma_semaphore, #tpu.memory_space<semaphore_mem>>
      %dma_start3A_167 = arith.constant 256 : i32
      %dma_start3A_168 = tpu.memref_slice %arg9[%arg1, %run_scoped3A_82, %dma_start3A_167] : memref<16x1x896xi32, #tpu.memory_space<hbm>> -> memref<1x1x128xi32, #tpu.memory_space<hbm>>
      %dma_start3A_169 = tpu.memref_squeeze %dma_start3A_168 : memref<1x1x128xi32, #tpu.memory_space<hbm>> -> memref<128xi32, #tpu.memory_space<hbm>>
      %dma_start3A_170 = arith.constant 256 : i32
      %dma_start3A_171 = tpu.memref_slice %arg9[%arg1, %run_scoped3A_82, %dma_start3A_170] : memref<16x1x896xi32, #tpu.memory_space<hbm>> -> memref<1x1x128xi32, #tpu.memory_space<hbm>>
      %dma_start3A_172 = tpu.memref_squeeze %dma_start3A_171 : memref<1x1x128xi32, #tpu.memory_space<hbm>> -> memref<128xi32, #tpu.memory_space<hbm>>
      tpu.enqueue_dma source(%dma_start3A_172 : memref<128xi32, #tpu.memory_space<hbm>>) target(%arg13 : memref<128xi32, #tpu.memory_space<vmem>>) target_semaphore(%run_scoped3A_166 : memref<!tpu.dma_semaphore, #tpu.memory_space<semaphore_mem>>)
      %dma_wait3A_173 = arith.constant 256 : i32
      %dma_wait3A_174 = tpu.memref_slice %arg9[%arg1, %run_scoped3A_82, %dma_wait3A_173] : memref<16x1x896xi32, #tpu.memory_space<hbm>> -> memref<1x1x128xi32, #tpu.memory_space<hbm>>
      %dma_wait3A_175 = tpu.memref_squeeze %dma_wait3A_174 : memref<1x1x128xi32, #tpu.memory_space<hbm>> -> memref<128xi32, #tpu.memory_space<hbm>>
      %dma_wait3A_176 = arith.constant 256 : i32
      %dma_wait3A_177 = tpu.memref_slice %arg9[%arg1, %run_scoped3A_82, %dma_wait3A_176] : memref<16x1x896xi32, #tpu.memory_space<hbm>> -> memref<1x1x128xi32, #tpu.memory_space<hbm>>
      %dma_wait3A_178 = tpu.memref_squeeze %dma_wait3A_177 : memref<1x1x128xi32, #tpu.memory_space<hbm>> -> memref<128xi32, #tpu.memory_space<hbm>>
      tpu.wait_dma2 semaphore(%run_scoped3A_166 : memref<!tpu.dma_semaphore, #tpu.memory_space<semaphore_mem>>) src(%dma_wait3A_178 : memref<128xi32, #tpu.memory_space<hbm>>) dst(%arg13 : memref<128xi32, #tpu.memory_space<vmem>>)
      tpu.yield
    }) : () -> ()
    "tpu.region"() ({
      %run_scoped3A_166 = tpu.sem_alloc : memref<!tpu.dma_semaphore, #tpu.memory_space<semaphore_mem>>
      %dma_start3A_167 = arith.constant 0 : i32
      %dma_start3A_168 = arith.constant 0 : i32
      %dma_start3A_169 = tpu.memref_slice %arg15[%dma_start3A_167, %dma_start3A_168] : memref<12864x128xf32, #tpu.memory_space<vmem_shared>> -> memref<12864x128xf32, #tpu.memory_space<vmem_shared>>
      tpu.enqueue_indirect_dma source(%arg14 : memref<128x128xf32, #tpu.memory_space<vmem>>) target(%dma_start3A_169 : memref<12864x128xf32, #tpu.memory_space<vmem_shared>>) offsets(%arg13 : memref<128xi32, #tpu.memory_space<vmem>>) semaphore(%run_scoped3A_166 : memref<!tpu.dma_semaphore, #tpu.memory_space<semaphore_mem>>)
      %dma_wait3A_170 = arith.constant 0 : i32
      %dma_wait3A_171 = arith.constant 0 : i32
      %dma_wait3A_172 = tpu.memref_slice %arg15[%dma_wait3A_170, %dma_wait3A_171] : memref<12864x128xf32, #tpu.memory_space<vmem_shared>> -> memref<12864x128xf32, #tpu.memory_space<vmem_shared>>
      tpu.wait_indirect_dma semaphore(%run_scoped3A_166 : memref<!tpu.dma_semaphore, #tpu.memory_space<semaphore_mem>>) src(%arg14 : memref<128x128xf32, #tpu.memory_space<vmem>>) dst(%dma_wait3A_172 : memref<12864x128xf32, #tpu.memory_space<vmem_shared>>)
      tpu.yield
    }) : () -> ()
    %run_scoped3A_83 = arith.constant 0 : i32
    "tpu.region"() ({
      %run_scoped3A_166 = tpu.sem_alloc : memref<!tpu.dma_semaphore, #tpu.memory_space<semaphore_mem>>
      %dma_start3A_167 = arith.constant 384 : i32
      %dma_start3A_168 = tpu.memref_slice %arg9[%arg1, %run_scoped3A_83, %dma_start3A_167] : memref<16x1x896xi32, #tpu.memory_space<hbm>> -> memref<1x1x128xi32, #tpu.memory_space<hbm>>
      %dma_start3A_169 = tpu.memref_squeeze %dma_start3A_168 : memref<1x1x128xi32, #tpu.memory_space<hbm>> -> memref<128xi32, #tpu.memory_space<hbm>>
      %dma_start3A_170 = arith.constant 384 : i32
      %dma_start3A_171 = tpu.memref_slice %arg9[%arg1, %run_scoped3A_83, %dma_start3A_170] : memref<16x1x896xi32, #tpu.memory_space<hbm>> -> memref<1x1x128xi32, #tpu.memory_space<hbm>>
      %dma_start3A_172 = tpu.memref_squeeze %dma_start3A_171 : memref<1x1x128xi32, #tpu.memory_space<hbm>> -> memref<128xi32, #tpu.memory_space<hbm>>
      tpu.enqueue_dma source(%dma_start3A_172 : memref<128xi32, #tpu.memory_space<hbm>>) target(%arg13 : memref<128xi32, #tpu.memory_space<vmem>>) target_semaphore(%run_scoped3A_166 : memref<!tpu.dma_semaphore, #tpu.memory_space<semaphore_mem>>)
      %dma_wait3A_173 = arith.constant 384 : i32
      %dma_wait3A_174 = tpu.memref_slice %arg9[%arg1, %run_scoped3A_83, %dma_wait3A_173] : memref<16x1x896xi32, #tpu.memory_space<hbm>> -> memref<1x1x128xi32, #tpu.memory_space<hbm>>
      %dma_wait3A_175 = tpu.memref_squeeze %dma_wait3A_174 : memref<1x1x128xi32, #tpu.memory_space<hbm>> -> memref<128xi32, #tpu.memory_space<hbm>>
      %dma_wait3A_176 = arith.constant 384 : i32
      %dma_wait3A_177 = tpu.memref_slice %arg9[%arg1, %run_scoped3A_83, %dma_wait3A_176] : memref<16x1x896xi32, #tpu.memory_space<hbm>> -> memref<1x1x128xi32, #tpu.memory_space<hbm>>
      %dma_wait3A_178 = tpu.memref_squeeze %dma_wait3A_177 : memref<1x1x128xi32, #tpu.memory_space<hbm>> -> memref<128xi32, #tpu.memory_space<hbm>>
      tpu.wait_dma2 semaphore(%run_scoped3A_166 : memref<!tpu.dma_semaphore, #tpu.memory_space<semaphore_mem>>) src(%dma_wait3A_178 : memref<128xi32, #tpu.memory_space<hbm>>) dst(%arg13 : memref<128xi32, #tpu.memory_space<vmem>>)
      tpu.yield
    }) : () -> ()
    "tpu.region"() ({
      %run_scoped3A_166 = tpu.sem_alloc : memref<!tpu.dma_semaphore, #tpu.memory_space<semaphore_mem>>
      %dma_start3A_167 = arith.constant 0 : i32
      %dma_start3A_168 = arith.constant 0 : i32
      %dma_start3A_169 = tpu.memref_slice %arg15[%dma_start3A_167, %dma_start3A_168] : memref<12864x128xf32, #tpu.memory_space<vmem_shared>> -> memref<12864x128xf32, #tpu.memory_space<vmem_shared>>
      tpu.enqueue_indirect_dma source(%arg14 : memref<128x128xf32, #tpu.memory_space<vmem>>) target(%dma_start3A_169 : memref<12864x128xf32, #tpu.memory_space<vmem_shared>>) offsets(%arg13 : memref<128xi32, #tpu.memory_space<vmem>>) semaphore(%run_scoped3A_166 : memref<!tpu.dma_semaphore, #tpu.memory_space<semaphore_mem>>)
      %dma_wait3A_170 = arith.constant 0 : i32
      %dma_wait3A_171 = arith.constant 0 : i32
      %dma_wait3A_172 = tpu.memref_slice %arg15[%dma_wait3A_170, %dma_wait3A_171] : memref<12864x128xf32, #tpu.memory_space<vmem_shared>> -> memref<12864x128xf32, #tpu.memory_space<vmem_shared>>
      tpu.wait_indirect_dma semaphore(%run_scoped3A_166 : memref<!tpu.dma_semaphore, #tpu.memory_space<semaphore_mem>>) src(%arg14 : memref<128x128xf32, #tpu.memory_space<vmem>>) dst(%dma_wait3A_172 : memref<12864x128xf32, #tpu.memory_space<vmem_shared>>)
      tpu.yield
    }) : () -> ()
    %run_scoped3A_84 = arith.constant 0 : i32
    "tpu.region"() ({
      %run_scoped3A_166 = tpu.sem_alloc : memref<!tpu.dma_semaphore, #tpu.memory_space<semaphore_mem>>
      %dma_start3A_167 = arith.constant 512 : i32
      %dma_start3A_168 = tpu.memref_slice %arg9[%arg1, %run_scoped3A_84, %dma_start3A_167] : memref<16x1x896xi32, #tpu.memory_space<hbm>> -> memref<1x1x128xi32, #tpu.memory_space<hbm>>
      %dma_start3A_169 = tpu.memref_squeeze %dma_start3A_168 : memref<1x1x128xi32, #tpu.memory_space<hbm>> -> memref<128xi32, #tpu.memory_space<hbm>>
      %dma_start3A_170 = arith.constant 512 : i32
      %dma_start3A_171 = tpu.memref_slice %arg9[%arg1, %run_scoped3A_84, %dma_start3A_170] : memref<16x1x896xi32, #tpu.memory_space<hbm>> -> memref<1x1x128xi32, #tpu.memory_space<hbm>>
      %dma_start3A_172 = tpu.memref_squeeze %dma_start3A_171 : memref<1x1x128xi32, #tpu.memory_space<hbm>> -> memref<128xi32, #tpu.memory_space<hbm>>
      tpu.enqueue_dma source(%dma_start3A_172 : memref<128xi32, #tpu.memory_space<hbm>>) target(%arg13 : memref<128xi32, #tpu.memory_space<vmem>>) target_semaphore(%run_scoped3A_166 : memref<!tpu.dma_semaphore, #tpu.memory_space<semaphore_mem>>)
      %dma_wait3A_173 = arith.constant 512 : i32
      %dma_wait3A_174 = tpu.memref_slice %arg9[%arg1, %run_scoped3A_84, %dma_wait3A_173] : memref<16x1x896xi32, #tpu.memory_space<hbm>> -> memref<1x1x128xi32, #tpu.memory_space<hbm>>
      %dma_wait3A_175 = tpu.memref_squeeze %dma_wait3A_174 : memref<1x1x128xi32, #tpu.memory_space<hbm>> -> memref<128xi32, #tpu.memory_space<hbm>>
      %dma_wait3A_176 = arith.constant 512 : i32
      %dma_wait3A_177 = tpu.memref_slice %arg9[%arg1, %run_scoped3A_84, %dma_wait3A_176] : memref<16x1x896xi32, #tpu.memory_space<hbm>> -> memref<1x1x128xi32, #tpu.memory_space<hbm>>
      %dma_wait3A_178 = tpu.memref_squeeze %dma_wait3A_177 : memref<1x1x128xi32, #tpu.memory_space<hbm>> -> memref<128xi32, #tpu.memory_space<hbm>>
      tpu.wait_dma2 semaphore(%run_scoped3A_166 : memref<!tpu.dma_semaphore, #tpu.memory_space<semaphore_mem>>) src(%dma_wait3A_178 : memref<128xi32, #tpu.memory_space<hbm>>) dst(%arg13 : memref<128xi32, #tpu.memory_space<vmem>>)
      tpu.yield
    }) : () -> ()
    "tpu.region"() ({
      %run_scoped3A_166 = tpu.sem_alloc : memref<!tpu.dma_semaphore, #tpu.memory_space<semaphore_mem>>
      %dma_start3A_167 = arith.constant 0 : i32
      %dma_start3A_168 = arith.constant 0 : i32
      %dma_start3A_169 = tpu.memref_slice %arg15[%dma_start3A_167, %dma_start3A_168] : memref<12864x128xf32, #tpu.memory_space<vmem_shared>> -> memref<12864x128xf32, #tpu.memory_space<vmem_shared>>
      tpu.enqueue_indirect_dma source(%arg14 : memref<128x128xf32, #tpu.memory_space<vmem>>) target(%dma_start3A_169 : memref<12864x128xf32, #tpu.memory_space<vmem_shared>>) offsets(%arg13 : memref<128xi32, #tpu.memory_space<vmem>>) semaphore(%run_scoped3A_166 : memref<!tpu.dma_semaphore, #tpu.memory_space<semaphore_mem>>)
      %dma_wait3A_170 = arith.constant 0 : i32
      %dma_wait3A_171 = arith.constant 0 : i32
      %dma_wait3A_172 = tpu.memref_slice %arg15[%dma_wait3A_170, %dma_wait3A_171] : memref<12864x128xf32, #tpu.memory_space<vmem_shared>> -> memref<12864x128xf32, #tpu.memory_space<vmem_shared>>
      tpu.wait_indirect_dma semaphore(%run_scoped3A_166 : memref<!tpu.dma_semaphore, #tpu.memory_space<semaphore_mem>>) src(%arg14 : memref<128x128xf32, #tpu.memory_space<vmem>>) dst(%dma_wait3A_172 : memref<12864x128xf32, #tpu.memory_space<vmem_shared>>)
      tpu.yield
    }) : () -> ()
    %run_scoped3A_85 = arith.constant 0 : i32
    "tpu.region"() ({
      %run_scoped3A_166 = tpu.sem_alloc : memref<!tpu.dma_semaphore, #tpu.memory_space<semaphore_mem>>
      %dma_start3A_167 = arith.constant 640 : i32
      %dma_start3A_168 = tpu.memref_slice %arg9[%arg1, %run_scoped3A_85, %dma_start3A_167] : memref<16x1x896xi32, #tpu.memory_space<hbm>> -> memref<1x1x128xi32, #tpu.memory_space<hbm>>
      %dma_start3A_169 = tpu.memref_squeeze %dma_start3A_168 : memref<1x1x128xi32, #tpu.memory_space<hbm>> -> memref<128xi32, #tpu.memory_space<hbm>>
      %dma_start3A_170 = arith.constant 640 : i32
      %dma_start3A_171 = tpu.memref_slice %arg9[%arg1, %run_scoped3A_85, %dma_start3A_170] : memref<16x1x896xi32, #tpu.memory_space<hbm>> -> memref<1x1x128xi32, #tpu.memory_space<hbm>>
      %dma_start3A_172 = tpu.memref_squeeze %dma_start3A_171 : memref<1x1x128xi32, #tpu.memory_space<hbm>> -> memref<128xi32, #tpu.memory_space<hbm>>
      tpu.enqueue_dma source(%dma_start3A_172 : memref<128xi32, #tpu.memory_space<hbm>>) target(%arg13 : memref<128xi32, #tpu.memory_space<vmem>>) target_semaphore(%run_scoped3A_166 : memref<!tpu.dma_semaphore, #tpu.memory_space<semaphore_mem>>)
      %dma_wait3A_173 = arith.constant 640 : i32
      %dma_wait3A_174 = tpu.memref_slice %arg9[%arg1, %run_scoped3A_85, %dma_wait3A_173] : memref<16x1x896xi32, #tpu.memory_space<hbm>> -> memref<1x1x128xi32, #tpu.memory_space<hbm>>
      %dma_wait3A_175 = tpu.memref_squeeze %dma_wait3A_174 : memref<1x1x128xi32, #tpu.memory_space<hbm>> -> memref<128xi32, #tpu.memory_space<hbm>>
      %dma_wait3A_176 = arith.constant 640 : i32
      %dma_wait3A_177 = tpu.memref_slice %arg9[%arg1, %run_scoped3A_85, %dma_wait3A_176] : memref<16x1x896xi32, #tpu.memory_space<hbm>> -> memref<1x1x128xi32, #tpu.memory_space<hbm>>
      %dma_wait3A_178 = tpu.memref_squeeze %dma_wait3A_177 : memref<1x1x128xi32, #tpu.memory_space<hbm>> -> memref<128xi32, #tpu.memory_space<hbm>>
      tpu.wait_dma2 semaphore(%run_scoped3A_166 : memref<!tpu.dma_semaphore, #tpu.memory_space<semaphore_mem>>) src(%dma_wait3A_178 : memref<128xi32, #tpu.memory_space<hbm>>) dst(%arg13 : memref<128xi32, #tpu.memory_space<vmem>>)
      tpu.yield
    }) : () -> ()
    "tpu.region"() ({
      %run_scoped3A_166 = tpu.sem_alloc : memref<!tpu.dma_semaphore, #tpu.memory_space<semaphore_mem>>
      %dma_start3A_167 = arith.constant 0 : i32
      %dma_start3A_168 = arith.constant 0 : i32
      %dma_start3A_169 = tpu.memref_slice %arg15[%dma_start3A_167, %dma_start3A_168] : memref<12864x128xf32, #tpu.memory_space<vmem_shared>> -> memref<12864x128xf32, #tpu.memory_space<vmem_shared>>
      tpu.enqueue_indirect_dma source(%arg14 : memref<128x128xf32, #tpu.memory_space<vmem>>) target(%dma_start3A_169 : memref<12864x128xf32, #tpu.memory_space<vmem_shared>>) offsets(%arg13 : memref<128xi32, #tpu.memory_space<vmem>>) semaphore(%run_scoped3A_166 : memref<!tpu.dma_semaphore, #tpu.memory_space<semaphore_mem>>)
      %dma_wait3A_170 = arith.constant 0 : i32
      %dma_wait3A_171 = arith.constant 0 : i32
      %dma_wait3A_172 = tpu.memref_slice %arg15[%dma_wait3A_170, %dma_wait3A_171] : memref<12864x128xf32, #tpu.memory_space<vmem_shared>> -> memref<12864x128xf32, #tpu.memory_space<vmem_shared>>
      tpu.wait_indirect_dma semaphore(%run_scoped3A_166 : memref<!tpu.dma_semaphore, #tpu.memory_space<semaphore_mem>>) src(%arg14 : memref<128x128xf32, #tpu.memory_space<vmem>>) dst(%dma_wait3A_172 : memref<12864x128xf32, #tpu.memory_space<vmem_shared>>)
      tpu.yield
    }) : () -> ()
    %run_scoped3A_86 = arith.constant 0 : i32
    "tpu.region"() ({
      %run_scoped3A_166 = tpu.sem_alloc : memref<!tpu.dma_semaphore, #tpu.memory_space<semaphore_mem>>
      %dma_start3A_167 = arith.constant 768 : i32
      %dma_start3A_168 = tpu.memref_slice %arg9[%arg1, %run_scoped3A_86, %dma_start3A_167] : memref<16x1x896xi32, #tpu.memory_space<hbm>> -> memref<1x1x128xi32, #tpu.memory_space<hbm>>
      %dma_start3A_169 = tpu.memref_squeeze %dma_start3A_168 : memref<1x1x128xi32, #tpu.memory_space<hbm>> -> memref<128xi32, #tpu.memory_space<hbm>>
      %dma_start3A_170 = arith.constant 768 : i32
      %dma_start3A_171 = tpu.memref_slice %arg9[%arg1, %run_scoped3A_86, %dma_start3A_170] : memref<16x1x896xi32, #tpu.memory_space<hbm>> -> memref<1x1x128xi32, #tpu.memory_space<hbm>>
      %dma_start3A_172 = tpu.memref_squeeze %dma_start3A_171 : memref<1x1x128xi32, #tpu.memory_space<hbm>> -> memref<128xi32, #tpu.memory_space<hbm>>
      tpu.enqueue_dma source(%dma_start3A_172 : memref<128xi32, #tpu.memory_space<hbm>>) target(%arg13 : memref<128xi32, #tpu.memory_space<vmem>>) target_semaphore(%run_scoped3A_166 : memref<!tpu.dma_semaphore, #tpu.memory_space<semaphore_mem>>)
      %dma_wait3A_173 = arith.constant 768 : i32
      %dma_wait3A_174 = tpu.memref_slice %arg9[%arg1, %run_scoped3A_86, %dma_wait3A_173] : memref<16x1x896xi32, #tpu.memory_space<hbm>> -> memref<1x1x128xi32, #tpu.memory_space<hbm>>
      %dma_wait3A_175 = tpu.memref_squeeze %dma_wait3A_174 : memref<1x1x128xi32, #tpu.memory_space<hbm>> -> memref<128xi32, #tpu.memory_space<hbm>>
      %dma_wait3A_176 = arith.constant 768 : i32
      %dma_wait3A_177 = tpu.memref_slice %arg9[%arg1, %run_scoped3A_86, %dma_wait3A_176] : memref<16x1x896xi32, #tpu.memory_space<hbm>> -> memref<1x1x128xi32, #tpu.memory_space<hbm>>
      %dma_wait3A_178 = tpu.memref_squeeze %dma_wait3A_177 : memref<1x1x128xi32, #tpu.memory_space<hbm>> -> memref<128xi32, #tpu.memory_space<hbm>>
      tpu.wait_dma2 semaphore(%run_scoped3A_166 : memref<!tpu.dma_semaphore, #tpu.memory_space<semaphore_mem>>) src(%dma_wait3A_178 : memref<128xi32, #tpu.memory_space<hbm>>) dst(%arg13 : memref<128xi32, #tpu.memory_space<vmem>>)
      tpu.yield
    }) : () -> ()
    "tpu.region"() ({
      %run_scoped3A_166 = tpu.sem_alloc : memref<!tpu.dma_semaphore, #tpu.memory_space<semaphore_mem>>
      %dma_start3A_167 = arith.constant 0 : i32
      %dma_start3A_168 = arith.constant 0 : i32
      %dma_start3A_169 = tpu.memref_slice %arg15[%dma_start3A_167, %dma_start3A_168] : memref<12864x128xf32, #tpu.memory_space<vmem_shared>> -> memref<12864x128xf32, #tpu.memory_space<vmem_shared>>
      tpu.enqueue_indirect_dma source(%arg14 : memref<128x128xf32, #tpu.memory_space<vmem>>) target(%dma_start3A_169 : memref<12864x128xf32, #tpu.memory_space<vmem_shared>>) offsets(%arg13 : memref<128xi32, #tpu.memory_space<vmem>>) semaphore(%run_scoped3A_166 : memref<!tpu.dma_semaphore, #tpu.memory_space<semaphore_mem>>)
      %dma_wait3A_170 = arith.constant 0 : i32
      %dma_wait3A_171 = arith.constant 0 : i32
      %dma_wait3A_172 = tpu.memref_slice %arg15[%dma_wait3A_170, %dma_wait3A_171] : memref<12864x128xf32, #tpu.memory_space<vmem_shared>> -> memref<12864x128xf32, #tpu.memory_space<vmem_shared>>
      tpu.wait_indirect_dma semaphore(%run_scoped3A_166 : memref<!tpu.dma_semaphore, #tpu.memory_space<semaphore_mem>>) src(%arg14 : memref<128x128xf32, #tpu.memory_space<vmem>>) dst(%dma_wait3A_172 : memref<12864x128xf32, #tpu.memory_space<vmem_shared>>)
      tpu.yield
    }) : () -> ()
    %barrier3A_87 = arith.constant 0 : index
    tpu.barrier barrier_id(%barrier3A_87)
    %scan3A_88 = arith.constant 0 : i32
    %scan3A_89 = arith.constant 50 : i32
    %scan3A_90 = arith.addi %scan3A_88, %scan3A_89 : i32
    %scan3A_91 = arith.constant 1 : i32
    scf.for %scan3A_166 = %scan3A_88 to %scan3A_90 step %scan3A_91  : i32 {
      %mul3A_167 = arith.constant 1 : i32
      %mul3A_168 = arith.muli %scan3A_166, %mul3A_167 : i32
      %add3A_169 = arith.constant 0 : i32
      %add3A_170 = arith.addi %add3A_169, %mul3A_168 : i32
      %mul3A_171 = arith.constant 50 : i32
      %mul3A_172 = arith.muli %arg1, %mul3A_171 : i32
      %add3A_173 = arith.addi %mul3A_172, %add3A_170 : i32
      %mul3A_174 = arith.constant 128 : i32
      %mul3A_175 = arith.muli %add3A_173, %mul3A_174 : i32
      "tpu.region"() ({
        %run_scoped3A_189 = tpu.sem_alloc : memref<!tpu.dma_semaphore, #tpu.memory_space<semaphore_mem>>
        %dma_start3A_190 = tpu.memref_slice %arg2[%mul3A_175] : memref<102400xi32, #tpu.memory_space<hbm>> -> memref<128xi32, #tpu.memory_space<hbm>>
        %dma_start3A_191 = tpu.memref_slice %arg2[%mul3A_175] : memref<102400xi32, #tpu.memory_space<hbm>> -> memref<128xi32, #tpu.memory_space<hbm>>
        tpu.enqueue_dma source(%dma_start3A_191 : memref<128xi32, #tpu.memory_space<hbm>>) target(%arg12 : memref<128xi32, #tpu.memory_space<vmem>>) target_semaphore(%run_scoped3A_189 : memref<!tpu.dma_semaphore, #tpu.memory_space<semaphore_mem>>)
        %dma_wait3A_192 = tpu.memref_slice %arg2[%mul3A_175] : memref<102400xi32, #tpu.memory_space<hbm>> -> memref<128xi32, #tpu.memory_space<hbm>>
        %dma_wait3A_193 = tpu.memref_slice %arg2[%mul3A_175] : memref<102400xi32, #tpu.memory_space<hbm>> -> memref<128xi32, #tpu.memory_space<hbm>>
        tpu.wait_dma2 semaphore(%run_scoped3A_189 : memref<!tpu.dma_semaphore, #tpu.memory_space<semaphore_mem>>) src(%dma_wait3A_193 : memref<128xi32, #tpu.memory_space<hbm>>) dst(%arg12 : memref<128xi32, #tpu.memory_space<vmem>>)
        tpu.yield
      }) : () -> ()
      %eq3A = arith.constant 0 : i32
      %eq3A_176 = arith.cmpi eq, %arg0, %eq3A : i32
      %convert_element_type3A = arith.extui %eq3A_176 : i1 to i32
      %cond3A = arith.constant 0 : i32
      %cond3A_177 = arith.cmpi ne, %convert_element_type3A, %cond3A : i32
      scf.if %cond3A_177 {
        "tpu.region"() ({
          %run_scoped3A_189 = tpu.sem_alloc : memref<!tpu.dma_semaphore, #tpu.memory_space<semaphore_mem>>
          %dma_start3A_190 = tpu.memref_slice %arg4[%mul3A_175] : memref<102400xi32, #tpu.memory_space<hbm>> -> memref<128xi32, #tpu.memory_space<hbm>>
          %dma_start3A_191 = tpu.memref_slice %arg4[%mul3A_175] : memref<102400xi32, #tpu.memory_space<hbm>> -> memref<128xi32, #tpu.memory_space<hbm>>
          tpu.enqueue_dma source(%dma_start3A_191 : memref<128xi32, #tpu.memory_space<hbm>>) target(%arg13 : memref<128xi32, #tpu.memory_space<vmem>>) target_semaphore(%run_scoped3A_189 : memref<!tpu.dma_semaphore, #tpu.memory_space<semaphore_mem>>)
          %dma_wait3A_192 = tpu.memref_slice %arg4[%mul3A_175] : memref<102400xi32, #tpu.memory_space<hbm>> -> memref<128xi32, #tpu.memory_space<hbm>>
          %dma_wait3A_193 = tpu.memref_slice %arg4[%mul3A_175] : memref<102400xi32, #tpu.memory_space<hbm>> -> memref<128xi32, #tpu.memory_space<hbm>>
          tpu.wait_dma2 semaphore(%run_scoped3A_189 : memref<!tpu.dma_semaphore, #tpu.memory_space<semaphore_mem>>) src(%dma_wait3A_193 : memref<128xi32, #tpu.memory_space<hbm>>) dst(%arg13 : memref<128xi32, #tpu.memory_space<vmem>>)
          tpu.yield
        }) : () -> ()
      } else {
      }
      %eq3A_178 = arith.constant 1 : i32
      %eq3A_179 = arith.cmpi eq, %arg0, %eq3A_178 : i32
      %convert_element_type3A_180 = arith.extui %eq3A_179 : i1 to i32
      %cond3A_181 = arith.constant 0 : i32
      %cond3A_182 = arith.cmpi ne, %convert_element_type3A_180, %cond3A_181 : i32
      scf.if %cond3A_182 {
        "tpu.region"() ({
          %run_scoped3A_189 = tpu.sem_alloc : memref<!tpu.dma_semaphore, #tpu.memory_space<semaphore_mem>>
          %dma_start3A_190 = tpu.memref_slice %arg6[%mul3A_175] : memref<102400xi32, #tpu.memory_space<hbm>> -> memref<128xi32, #tpu.memory_space<hbm>>
          %dma_start3A_191 = tpu.memref_slice %arg6[%mul3A_175] : memref<102400xi32, #tpu.memory_space<hbm>> -> memref<128xi32, #tpu.memory_space<hbm>>
          tpu.enqueue_dma source(%dma_start3A_191 : memref<128xi32, #tpu.memory_space<hbm>>) target(%arg13 : memref<128xi32, #tpu.memory_space<vmem>>) target_semaphore(%run_scoped3A_189 : memref<!tpu.dma_semaphore, #tpu.memory_space<semaphore_mem>>)
          %dma_wait3A_192 = tpu.memref_slice %arg6[%mul3A_175] : memref<102400xi32, #tpu.memory_space<hbm>> -> memref<128xi32, #tpu.memory_space<hbm>>
          %dma_wait3A_193 = tpu.memref_slice %arg6[%mul3A_175] : memref<102400xi32, #tpu.memory_space<hbm>> -> memref<128xi32, #tpu.memory_space<hbm>>
          tpu.wait_dma2 semaphore(%run_scoped3A_189 : memref<!tpu.dma_semaphore, #tpu.memory_space<semaphore_mem>>) src(%dma_wait3A_193 : memref<128xi32, #tpu.memory_space<hbm>>) dst(%arg13 : memref<128xi32, #tpu.memory_space<vmem>>)
          tpu.yield
        }) : () -> ()
      } else {
      }
      %dma_start3A_183 = arith.constant 0 : i32
      %dma_start3A_184 = arith.constant 0 : i32
      %dma_start3A_185 = tpu.memref_slice %arg7[%dma_start3A_183, %dma_start3A_184] : memref<1000000x128xf32, #tpu.memory_space<hbm>> -> memref<1000000x128xf32, #tpu.memory_space<hbm>>
      tpu.enqueue_indirect_dma source(%dma_start3A_185 : memref<1000000x128xf32, #tpu.memory_space<hbm>>) target(%arg14 : memref<128x128xf32, #tpu.memory_space<vmem>>) offsets(%arg12 : memref<128xi32, #tpu.memory_space<vmem>>) semaphore(%arg16 : memref<!tpu.dma_semaphore, #tpu.memory_space<semaphore_mem>>)
      %dma_wait3A_186 = arith.constant 0 : i32
      %dma_wait3A_187 = arith.constant 0 : i32
      %dma_wait3A_188 = tpu.memref_slice %arg7[%dma_wait3A_186, %dma_wait3A_187] : memref<1000000x128xf32, #tpu.memory_space<hbm>> -> memref<1000000x128xf32, #tpu.memory_space<hbm>>
      tpu.wait_indirect_dma semaphore(%arg16 : memref<!tpu.dma_semaphore, #tpu.memory_space<semaphore_mem>>) src(%dma_wait3A_188 : memref<1000000x128xf32, #tpu.memory_space<hbm>>) dst(%arg14 : memref<128x128xf32, #tpu.memory_space<vmem>>)
      "tpu.region"() ({
        %run_scoped3A_189 = tpu.sem_alloc : memref<!tpu.dma_semaphore, #tpu.memory_space<semaphore_mem>>
        %dma_start3A_190 = arith.constant 0 : i32
        %dma_start3A_191 = arith.constant 0 : i32
        %dma_start3A_192 = tpu.memref_slice %arg15[%dma_start3A_190, %dma_start3A_191] : memref<12864x128xf32, #tpu.memory_space<vmem_shared>> -> memref<12864x128xf32, #tpu.memory_space<vmem_shared>>
        tpu.enqueue_indirect_dma source(%arg14 : memref<128x128xf32, #tpu.memory_space<vmem>>) target(%dma_start3A_192 : memref<12864x128xf32, #tpu.memory_space<vmem_shared>>) offsets(%arg13 : memref<128xi32, #tpu.memory_space<vmem>>) semaphore(%run_scoped3A_189 : memref<!tpu.dma_semaphore, #tpu.memory_space<semaphore_mem>>) {add = true}
        %dma_wait3A_193 = arith.constant 0 : i32
        %dma_wait3A_194 = arith.constant 0 : i32
        %dma_wait3A_195 = tpu.memref_slice %arg15[%dma_wait3A_193, %dma_wait3A_194] : memref<12864x128xf32, #tpu.memory_space<vmem_shared>> -> memref<12864x128xf32, #tpu.memory_space<vmem_shared>>
        tpu.wait_indirect_dma semaphore(%run_scoped3A_189 : memref<!tpu.dma_semaphore, #tpu.memory_space<semaphore_mem>>) src(%arg14 : memref<128x128xf32, #tpu.memory_space<vmem>>) dst(%dma_wait3A_195 : memref<12864x128xf32, #tpu.memory_space<vmem_shared>>)
        tpu.yield
      }) : () -> ()
    }
    %scan3A_92 = arith.constant 50 : i32
    %barrier3A_93 = arith.constant 0 : index
    tpu.barrier barrier_id(%barrier3A_93)
    %mul3A_94 = arith.constant 2 : i32
    %mul3A_95 = arith.muli %mul3A_94, %arg0 : i32
    %add3A_96 = arith.constant 1 : i32
    %add3A_97 = arith.addi %mul3A_95, %add3A_96 : i32
    %mul3A_98 = arith.constant 12800 : i32
    %mul3A_99 = arith.muli %add3A_97, %mul3A_98 : i32
    %mul3A_100 = arith.constant 800 : i32
    %mul3A_101 = arith.muli %arg1, %mul3A_100 : i32
    %add3A_102 = arith.addi %mul3A_99, %mul3A_101 : i32
    %run_scoped3A_103 = arith.constant 0 : i32
    "tpu.region"() ({
      %run_scoped3A_166 = tpu.sem_alloc : memref<!tpu.dma_semaphore, #tpu.memory_space<semaphore_mem>>
      %dma_start3A_167 = arith.constant 0 : i32
      %dma_start3A_168 = tpu.memref_slice %arg10[%arg1, %run_scoped3A_103, %dma_start3A_167] : memref<16x1x896xi32, #tpu.memory_space<hbm>> -> memref<1x1x128xi32, #tpu.memory_space<hbm>>
      %dma_start3A_169 = tpu.memref_squeeze %dma_start3A_168 : memref<1x1x128xi32, #tpu.memory_space<hbm>> -> memref<128xi32, #tpu.memory_space<hbm>>
      %dma_start3A_170 = arith.constant 0 : i32
      %dma_start3A_171 = tpu.memref_slice %arg10[%arg1, %run_scoped3A_103, %dma_start3A_170] : memref<16x1x896xi32, #tpu.memory_space<hbm>> -> memref<1x1x128xi32, #tpu.memory_space<hbm>>
      %dma_start3A_172 = tpu.memref_squeeze %dma_start3A_171 : memref<1x1x128xi32, #tpu.memory_space<hbm>> -> memref<128xi32, #tpu.memory_space<hbm>>
      tpu.enqueue_dma source(%dma_start3A_172 : memref<128xi32, #tpu.memory_space<hbm>>) target(%arg13 : memref<128xi32, #tpu.memory_space<vmem>>) target_semaphore(%run_scoped3A_166 : memref<!tpu.dma_semaphore, #tpu.memory_space<semaphore_mem>>)
      %dma_wait3A_173 = arith.constant 0 : i32
      %dma_wait3A_174 = tpu.memref_slice %arg10[%arg1, %run_scoped3A_103, %dma_wait3A_173] : memref<16x1x896xi32, #tpu.memory_space<hbm>> -> memref<1x1x128xi32, #tpu.memory_space<hbm>>
      %dma_wait3A_175 = tpu.memref_squeeze %dma_wait3A_174 : memref<1x1x128xi32, #tpu.memory_space<hbm>> -> memref<128xi32, #tpu.memory_space<hbm>>
      %dma_wait3A_176 = arith.constant 0 : i32
      %dma_wait3A_177 = tpu.memref_slice %arg10[%arg1, %run_scoped3A_103, %dma_wait3A_176] : memref<16x1x896xi32, #tpu.memory_space<hbm>> -> memref<1x1x128xi32, #tpu.memory_space<hbm>>
      %dma_wait3A_178 = tpu.memref_squeeze %dma_wait3A_177 : memref<1x1x128xi32, #tpu.memory_space<hbm>> -> memref<128xi32, #tpu.memory_space<hbm>>
      tpu.wait_dma2 semaphore(%run_scoped3A_166 : memref<!tpu.dma_semaphore, #tpu.memory_space<semaphore_mem>>) src(%dma_wait3A_178 : memref<128xi32, #tpu.memory_space<hbm>>) dst(%arg13 : memref<128xi32, #tpu.memory_space<vmem>>)
      tpu.yield
    }) : () -> ()
    %dma_start3A_104 = arith.constant 0 : i32
    %dma_start3A_105 = arith.constant 0 : i32
    %dma_start3A_106 = tpu.memref_slice %arg15[%dma_start3A_104, %dma_start3A_105] : memref<12864x128xf32, #tpu.memory_space<vmem_shared>> -> memref<12864x128xf32, #tpu.memory_space<vmem_shared>>
    tpu.enqueue_indirect_dma source(%dma_start3A_106 : memref<12864x128xf32, #tpu.memory_space<vmem_shared>>) target(%arg14 : memref<128x128xf32, #tpu.memory_space<vmem>>) offsets(%arg13 : memref<128xi32, #tpu.memory_space<vmem>>) semaphore(%arg16 : memref<!tpu.dma_semaphore, #tpu.memory_space<semaphore_mem>>)
    %dma_wait3A_107 = arith.constant 0 : i32
    %dma_wait3A_108 = arith.constant 0 : i32
    %dma_wait3A_109 = tpu.memref_slice %arg15[%dma_wait3A_107, %dma_wait3A_108] : memref<12864x128xf32, #tpu.memory_space<vmem_shared>> -> memref<12864x128xf32, #tpu.memory_space<vmem_shared>>
    tpu.wait_indirect_dma semaphore(%arg16 : memref<!tpu.dma_semaphore, #tpu.memory_space<semaphore_mem>>) src(%dma_wait3A_109 : memref<12864x128xf32, #tpu.memory_space<vmem_shared>>) dst(%arg14 : memref<128x128xf32, #tpu.memory_space<vmem>>)
    %add3A_110 = arith.constant 0 : i32
    %add3A_111 = arith.addi %add3A_102, %add3A_110 : i32
    "tpu.region"() ({
      %run_scoped3A_166 = tpu.sem_alloc : memref<!tpu.dma_semaphore, #tpu.memory_space<semaphore_mem>>
      %dma_start3A_167 = arith.constant 0 : i32
      %dma_start3A_168 = tpu.memref_slice %arg11[%add3A_111, %dma_start3A_167] : memref<51200x128xf32, #tpu.memory_space<hbm>> -> memref<128x128xf32, #tpu.memory_space<hbm>>
      %dma_start3A_169 = arith.constant 0 : i32
      %dma_start3A_170 = tpu.memref_slice %arg11[%add3A_111, %dma_start3A_169] : memref<51200x128xf32, #tpu.memory_space<hbm>> -> memref<128x128xf32, #tpu.memory_space<hbm>>
      tpu.enqueue_dma source(%arg14 : memref<128x128xf32, #tpu.memory_space<vmem>>) target(%dma_start3A_170 : memref<128x128xf32, #tpu.memory_space<hbm>>) target_semaphore(%run_scoped3A_166 : memref<!tpu.dma_semaphore, #tpu.memory_space<semaphore_mem>>)
      %dma_wait3A_171 = arith.constant 0 : i32
      %dma_wait3A_172 = tpu.memref_slice %arg11[%add3A_111, %dma_wait3A_171] : memref<51200x128xf32, #tpu.memory_space<hbm>> -> memref<128x128xf32, #tpu.memory_space<hbm>>
      %dma_wait3A_173 = arith.constant 0 : i32
      %dma_wait3A_174 = tpu.memref_slice %arg11[%add3A_111, %dma_wait3A_173] : memref<51200x128xf32, #tpu.memory_space<hbm>> -> memref<128x128xf32, #tpu.memory_space<hbm>>
      tpu.wait_dma2 semaphore(%run_scoped3A_166 : memref<!tpu.dma_semaphore, #tpu.memory_space<semaphore_mem>>) src(%arg14 : memref<128x128xf32, #tpu.memory_space<vmem>>) dst(%dma_wait3A_174 : memref<128x128xf32, #tpu.memory_space<hbm>>)
      tpu.yield
    }) : () -> ()
    %run_scoped3A_112 = arith.constant 0 : i32
    "tpu.region"() ({
      %run_scoped3A_166 = tpu.sem_alloc : memref<!tpu.dma_semaphore, #tpu.memory_space<semaphore_mem>>
      %dma_start3A_167 = arith.constant 128 : i32
      %dma_start3A_168 = tpu.memref_slice %arg10[%arg1, %run_scoped3A_112, %dma_start3A_167] : memref<16x1x896xi32, #tpu.memory_space<hbm>> -> memref<1x1x128xi32, #tpu.memory_space<hbm>>
      %dma_start3A_169 = tpu.memref_squeeze %dma_start3A_168 : memref<1x1x128xi32, #tpu.memory_space<hbm>> -> memref<128xi32, #tpu.memory_space<hbm>>
      %dma_start3A_170 = arith.constant 128 : i32
      %dma_start3A_171 = tpu.memref_slice %arg10[%arg1, %run_scoped3A_112, %dma_start3A_170] : memref<16x1x896xi32, #tpu.memory_space<hbm>> -> memref<1x1x128xi32, #tpu.memory_space<hbm>>
      %dma_start3A_172 = tpu.memref_squeeze %dma_start3A_171 : memref<1x1x128xi32, #tpu.memory_space<hbm>> -> memref<128xi32, #tpu.memory_space<hbm>>
      tpu.enqueue_dma source(%dma_start3A_172 : memref<128xi32, #tpu.memory_space<hbm>>) target(%arg13 : memref<128xi32, #tpu.memory_space<vmem>>) target_semaphore(%run_scoped3A_166 : memref<!tpu.dma_semaphore, #tpu.memory_space<semaphore_mem>>)
      %dma_wait3A_173 = arith.constant 128 : i32
      %dma_wait3A_174 = tpu.memref_slice %arg10[%arg1, %run_scoped3A_112, %dma_wait3A_173] : memref<16x1x896xi32, #tpu.memory_space<hbm>> -> memref<1x1x128xi32, #tpu.memory_space<hbm>>
      %dma_wait3A_175 = tpu.memref_squeeze %dma_wait3A_174 : memref<1x1x128xi32, #tpu.memory_space<hbm>> -> memref<128xi32, #tpu.memory_space<hbm>>
      %dma_wait3A_176 = arith.constant 128 : i32
      %dma_wait3A_177 = tpu.memref_slice %arg10[%arg1, %run_scoped3A_112, %dma_wait3A_176] : memref<16x1x896xi32, #tpu.memory_space<hbm>> -> memref<1x1x128xi32, #tpu.memory_space<hbm>>
      %dma_wait3A_178 = tpu.memref_squeeze %dma_wait3A_177 : memref<1x1x128xi32, #tpu.memory_space<hbm>> -> memref<128xi32, #tpu.memory_space<hbm>>
      tpu.wait_dma2 semaphore(%run_scoped3A_166 : memref<!tpu.dma_semaphore, #tpu.memory_space<semaphore_mem>>) src(%dma_wait3A_178 : memref<128xi32, #tpu.memory_space<hbm>>) dst(%arg13 : memref<128xi32, #tpu.memory_space<vmem>>)
      tpu.yield
    }) : () -> ()
    %dma_start3A_113 = arith.constant 0 : i32
    %dma_start3A_114 = arith.constant 0 : i32
    %dma_start3A_115 = tpu.memref_slice %arg15[%dma_start3A_113, %dma_start3A_114] : memref<12864x128xf32, #tpu.memory_space<vmem_shared>> -> memref<12864x128xf32, #tpu.memory_space<vmem_shared>>
    tpu.enqueue_indirect_dma source(%dma_start3A_115 : memref<12864x128xf32, #tpu.memory_space<vmem_shared>>) target(%arg14 : memref<128x128xf32, #tpu.memory_space<vmem>>) offsets(%arg13 : memref<128xi32, #tpu.memory_space<vmem>>) semaphore(%arg16 : memref<!tpu.dma_semaphore, #tpu.memory_space<semaphore_mem>>)
    %dma_wait3A_116 = arith.constant 0 : i32
    %dma_wait3A_117 = arith.constant 0 : i32
    %dma_wait3A_118 = tpu.memref_slice %arg15[%dma_wait3A_116, %dma_wait3A_117] : memref<12864x128xf32, #tpu.memory_space<vmem_shared>> -> memref<12864x128xf32, #tpu.memory_space<vmem_shared>>
    tpu.wait_indirect_dma semaphore(%arg16 : memref<!tpu.dma_semaphore, #tpu.memory_space<semaphore_mem>>) src(%dma_wait3A_118 : memref<12864x128xf32, #tpu.memory_space<vmem_shared>>) dst(%arg14 : memref<128x128xf32, #tpu.memory_space<vmem>>)
    %add3A_119 = arith.constant 128 : i32
    %add3A_120 = arith.addi %add3A_102, %add3A_119 : i32
    "tpu.region"() ({
      %run_scoped3A_166 = tpu.sem_alloc : memref<!tpu.dma_semaphore, #tpu.memory_space<semaphore_mem>>
      %dma_start3A_167 = arith.constant 0 : i32
      %dma_start3A_168 = tpu.memref_slice %arg11[%add3A_120, %dma_start3A_167] : memref<51200x128xf32, #tpu.memory_space<hbm>> -> memref<128x128xf32, #tpu.memory_space<hbm>>
      %dma_start3A_169 = arith.constant 0 : i32
      %dma_start3A_170 = tpu.memref_slice %arg11[%add3A_120, %dma_start3A_169] : memref<51200x128xf32, #tpu.memory_space<hbm>> -> memref<128x128xf32, #tpu.memory_space<hbm>>
      tpu.enqueue_dma source(%arg14 : memref<128x128xf32, #tpu.memory_space<vmem>>) target(%dma_start3A_170 : memref<128x128xf32, #tpu.memory_space<hbm>>) target_semaphore(%run_scoped3A_166 : memref<!tpu.dma_semaphore, #tpu.memory_space<semaphore_mem>>)
      %dma_wait3A_171 = arith.constant 0 : i32
      %dma_wait3A_172 = tpu.memref_slice %arg11[%add3A_120, %dma_wait3A_171] : memref<51200x128xf32, #tpu.memory_space<hbm>> -> memref<128x128xf32, #tpu.memory_space<hbm>>
      %dma_wait3A_173 = arith.constant 0 : i32
      %dma_wait3A_174 = tpu.memref_slice %arg11[%add3A_120, %dma_wait3A_173] : memref<51200x128xf32, #tpu.memory_space<hbm>> -> memref<128x128xf32, #tpu.memory_space<hbm>>
      tpu.wait_dma2 semaphore(%run_scoped3A_166 : memref<!tpu.dma_semaphore, #tpu.memory_space<semaphore_mem>>) src(%arg14 : memref<128x128xf32, #tpu.memory_space<vmem>>) dst(%dma_wait3A_174 : memref<128x128xf32, #tpu.memory_space<hbm>>)
      tpu.yield
    }) : () -> ()
    %run_scoped3A_121 = arith.constant 0 : i32
    "tpu.region"() ({
      %run_scoped3A_166 = tpu.sem_alloc : memref<!tpu.dma_semaphore, #tpu.memory_space<semaphore_mem>>
      %dma_start3A_167 = arith.constant 256 : i32
      %dma_start3A_168 = tpu.memref_slice %arg10[%arg1, %run_scoped3A_121, %dma_start3A_167] : memref<16x1x896xi32, #tpu.memory_space<hbm>> -> memref<1x1x128xi32, #tpu.memory_space<hbm>>
      %dma_start3A_169 = tpu.memref_squeeze %dma_start3A_168 : memref<1x1x128xi32, #tpu.memory_space<hbm>> -> memref<128xi32, #tpu.memory_space<hbm>>
      %dma_start3A_170 = arith.constant 256 : i32
      %dma_start3A_171 = tpu.memref_slice %arg10[%arg1, %run_scoped3A_121, %dma_start3A_170] : memref<16x1x896xi32, #tpu.memory_space<hbm>> -> memref<1x1x128xi32, #tpu.memory_space<hbm>>
      %dma_start3A_172 = tpu.memref_squeeze %dma_start3A_171 : memref<1x1x128xi32, #tpu.memory_space<hbm>> -> memref<128xi32, #tpu.memory_space<hbm>>
      tpu.enqueue_dma source(%dma_start3A_172 : memref<128xi32, #tpu.memory_space<hbm>>) target(%arg13 : memref<128xi32, #tpu.memory_space<vmem>>) target_semaphore(%run_scoped3A_166 : memref<!tpu.dma_semaphore, #tpu.memory_space<semaphore_mem>>)
      %dma_wait3A_173 = arith.constant 256 : i32
      %dma_wait3A_174 = tpu.memref_slice %arg10[%arg1, %run_scoped3A_121, %dma_wait3A_173] : memref<16x1x896xi32, #tpu.memory_space<hbm>> -> memref<1x1x128xi32, #tpu.memory_space<hbm>>
      %dma_wait3A_175 = tpu.memref_squeeze %dma_wait3A_174 : memref<1x1x128xi32, #tpu.memory_space<hbm>> -> memref<128xi32, #tpu.memory_space<hbm>>
      %dma_wait3A_176 = arith.constant 256 : i32
      %dma_wait3A_177 = tpu.memref_slice %arg10[%arg1, %run_scoped3A_121, %dma_wait3A_176] : memref<16x1x896xi32, #tpu.memory_space<hbm>> -> memref<1x1x128xi32, #tpu.memory_space<hbm>>
      %dma_wait3A_178 = tpu.memref_squeeze %dma_wait3A_177 : memref<1x1x128xi32, #tpu.memory_space<hbm>> -> memref<128xi32, #tpu.memory_space<hbm>>
      tpu.wait_dma2 semaphore(%run_scoped3A_166 : memref<!tpu.dma_semaphore, #tpu.memory_space<semaphore_mem>>) src(%dma_wait3A_178 : memref<128xi32, #tpu.memory_space<hbm>>) dst(%arg13 : memref<128xi32, #tpu.memory_space<vmem>>)
      tpu.yield
    }) : () -> ()
    %dma_start3A_122 = arith.constant 0 : i32
    %dma_start3A_123 = arith.constant 0 : i32
    %dma_start3A_124 = tpu.memref_slice %arg15[%dma_start3A_122, %dma_start3A_123] : memref<12864x128xf32, #tpu.memory_space<vmem_shared>> -> memref<12864x128xf32, #tpu.memory_space<vmem_shared>>
    tpu.enqueue_indirect_dma source(%dma_start3A_124 : memref<12864x128xf32, #tpu.memory_space<vmem_shared>>) target(%arg14 : memref<128x128xf32, #tpu.memory_space<vmem>>) offsets(%arg13 : memref<128xi32, #tpu.memory_space<vmem>>) semaphore(%arg16 : memref<!tpu.dma_semaphore, #tpu.memory_space<semaphore_mem>>)
    %dma_wait3A_125 = arith.constant 0 : i32
    %dma_wait3A_126 = arith.constant 0 : i32
    %dma_wait3A_127 = tpu.memref_slice %arg15[%dma_wait3A_125, %dma_wait3A_126] : memref<12864x128xf32, #tpu.memory_space<vmem_shared>> -> memref<12864x128xf32, #tpu.memory_space<vmem_shared>>
    tpu.wait_indirect_dma semaphore(%arg16 : memref<!tpu.dma_semaphore, #tpu.memory_space<semaphore_mem>>) src(%dma_wait3A_127 : memref<12864x128xf32, #tpu.memory_space<vmem_shared>>) dst(%arg14 : memref<128x128xf32, #tpu.memory_space<vmem>>)
    %add3A_128 = arith.constant 256 : i32
    %add3A_129 = arith.addi %add3A_102, %add3A_128 : i32
    "tpu.region"() ({
      %run_scoped3A_166 = tpu.sem_alloc : memref<!tpu.dma_semaphore, #tpu.memory_space<semaphore_mem>>
      %dma_start3A_167 = arith.constant 0 : i32
      %dma_start3A_168 = tpu.memref_slice %arg11[%add3A_129, %dma_start3A_167] : memref<51200x128xf32, #tpu.memory_space<hbm>> -> memref<128x128xf32, #tpu.memory_space<hbm>>
      %dma_start3A_169 = arith.constant 0 : i32
      %dma_start3A_170 = tpu.memref_slice %arg11[%add3A_129, %dma_start3A_169] : memref<51200x128xf32, #tpu.memory_space<hbm>> -> memref<128x128xf32, #tpu.memory_space<hbm>>
      tpu.enqueue_dma source(%arg14 : memref<128x128xf32, #tpu.memory_space<vmem>>) target(%dma_start3A_170 : memref<128x128xf32, #tpu.memory_space<hbm>>) target_semaphore(%run_scoped3A_166 : memref<!tpu.dma_semaphore, #tpu.memory_space<semaphore_mem>>)
      %dma_wait3A_171 = arith.constant 0 : i32
      %dma_wait3A_172 = tpu.memref_slice %arg11[%add3A_129, %dma_wait3A_171] : memref<51200x128xf32, #tpu.memory_space<hbm>> -> memref<128x128xf32, #tpu.memory_space<hbm>>
      %dma_wait3A_173 = arith.constant 0 : i32
      %dma_wait3A_174 = tpu.memref_slice %arg11[%add3A_129, %dma_wait3A_173] : memref<51200x128xf32, #tpu.memory_space<hbm>> -> memref<128x128xf32, #tpu.memory_space<hbm>>
      tpu.wait_dma2 semaphore(%run_scoped3A_166 : memref<!tpu.dma_semaphore, #tpu.memory_space<semaphore_mem>>) src(%arg14 : memref<128x128xf32, #tpu.memory_space<vmem>>) dst(%dma_wait3A_174 : memref<128x128xf32, #tpu.memory_space<hbm>>)
      tpu.yield
    }) : () -> ()
    %run_scoped3A_130 = arith.constant 0 : i32
    "tpu.region"() ({
      %run_scoped3A_166 = tpu.sem_alloc : memref<!tpu.dma_semaphore, #tpu.memory_space<semaphore_mem>>
      %dma_start3A_167 = arith.constant 384 : i32
      %dma_start3A_168 = tpu.memref_slice %arg10[%arg1, %run_scoped3A_130, %dma_start3A_167] : memref<16x1x896xi32, #tpu.memory_space<hbm>> -> memref<1x1x128xi32, #tpu.memory_space<hbm>>
      %dma_start3A_169 = tpu.memref_squeeze %dma_start3A_168 : memref<1x1x128xi32, #tpu.memory_space<hbm>> -> memref<128xi32, #tpu.memory_space<hbm>>
      %dma_start3A_170 = arith.constant 384 : i32
      %dma_start3A_171 = tpu.memref_slice %arg10[%arg1, %run_scoped3A_130, %dma_start3A_170] : memref<16x1x896xi32, #tpu.memory_space<hbm>> -> memref<1x1x128xi32, #tpu.memory_space<hbm>>
      %dma_start3A_172 = tpu.memref_squeeze %dma_start3A_171 : memref<1x1x128xi32, #tpu.memory_space<hbm>> -> memref<128xi32, #tpu.memory_space<hbm>>
      tpu.enqueue_dma source(%dma_start3A_172 : memref<128xi32, #tpu.memory_space<hbm>>) target(%arg13 : memref<128xi32, #tpu.memory_space<vmem>>) target_semaphore(%run_scoped3A_166 : memref<!tpu.dma_semaphore, #tpu.memory_space<semaphore_mem>>)
      %dma_wait3A_173 = arith.constant 384 : i32
      %dma_wait3A_174 = tpu.memref_slice %arg10[%arg1, %run_scoped3A_130, %dma_wait3A_173] : memref<16x1x896xi32, #tpu.memory_space<hbm>> -> memref<1x1x128xi32, #tpu.memory_space<hbm>>
      %dma_wait3A_175 = tpu.memref_squeeze %dma_wait3A_174 : memref<1x1x128xi32, #tpu.memory_space<hbm>> -> memref<128xi32, #tpu.memory_space<hbm>>
      %dma_wait3A_176 = arith.constant 384 : i32
      %dma_wait3A_177 = tpu.memref_slice %arg10[%arg1, %run_scoped3A_130, %dma_wait3A_176] : memref<16x1x896xi32, #tpu.memory_space<hbm>> -> memref<1x1x128xi32, #tpu.memory_space<hbm>>
      %dma_wait3A_178 = tpu.memref_squeeze %dma_wait3A_177 : memref<1x1x128xi32, #tpu.memory_space<hbm>> -> memref<128xi32, #tpu.memory_space<hbm>>
      tpu.wait_dma2 semaphore(%run_scoped3A_166 : memref<!tpu.dma_semaphore, #tpu.memory_space<semaphore_mem>>) src(%dma_wait3A_178 : memref<128xi32, #tpu.memory_space<hbm>>) dst(%arg13 : memref<128xi32, #tpu.memory_space<vmem>>)
      tpu.yield
    }) : () -> ()
    %dma_start3A_131 = arith.constant 0 : i32
    %dma_start3A_132 = arith.constant 0 : i32
    %dma_start3A_133 = tpu.memref_slice %arg15[%dma_start3A_131, %dma_start3A_132] : memref<12864x128xf32, #tpu.memory_space<vmem_shared>> -> memref<12864x128xf32, #tpu.memory_space<vmem_shared>>
    tpu.enqueue_indirect_dma source(%dma_start3A_133 : memref<12864x128xf32, #tpu.memory_space<vmem_shared>>) target(%arg14 : memref<128x128xf32, #tpu.memory_space<vmem>>) offsets(%arg13 : memref<128xi32, #tpu.memory_space<vmem>>) semaphore(%arg16 : memref<!tpu.dma_semaphore, #tpu.memory_space<semaphore_mem>>)
    %dma_wait3A_134 = arith.constant 0 : i32
    %dma_wait3A_135 = arith.constant 0 : i32
    %dma_wait3A_136 = tpu.memref_slice %arg15[%dma_wait3A_134, %dma_wait3A_135] : memref<12864x128xf32, #tpu.memory_space<vmem_shared>> -> memref<12864x128xf32, #tpu.memory_space<vmem_shared>>
    tpu.wait_indirect_dma semaphore(%arg16 : memref<!tpu.dma_semaphore, #tpu.memory_space<semaphore_mem>>) src(%dma_wait3A_136 : memref<12864x128xf32, #tpu.memory_space<vmem_shared>>) dst(%arg14 : memref<128x128xf32, #tpu.memory_space<vmem>>)
    %add3A_137 = arith.constant 384 : i32
    %add3A_138 = arith.addi %add3A_102, %add3A_137 : i32
    "tpu.region"() ({
      %run_scoped3A_166 = tpu.sem_alloc : memref<!tpu.dma_semaphore, #tpu.memory_space<semaphore_mem>>
      %dma_start3A_167 = arith.constant 0 : i32
      %dma_start3A_168 = tpu.memref_slice %arg11[%add3A_138, %dma_start3A_167] : memref<51200x128xf32, #tpu.memory_space<hbm>> -> memref<128x128xf32, #tpu.memory_space<hbm>>
      %dma_start3A_169 = arith.constant 0 : i32
      %dma_start3A_170 = tpu.memref_slice %arg11[%add3A_138, %dma_start3A_169] : memref<51200x128xf32, #tpu.memory_space<hbm>> -> memref<128x128xf32, #tpu.memory_space<hbm>>
      tpu.enqueue_dma source(%arg14 : memref<128x128xf32, #tpu.memory_space<vmem>>) target(%dma_start3A_170 : memref<128x128xf32, #tpu.memory_space<hbm>>) target_semaphore(%run_scoped3A_166 : memref<!tpu.dma_semaphore, #tpu.memory_space<semaphore_mem>>)
      %dma_wait3A_171 = arith.constant 0 : i32
      %dma_wait3A_172 = tpu.memref_slice %arg11[%add3A_138, %dma_wait3A_171] : memref<51200x128xf32, #tpu.memory_space<hbm>> -> memref<128x128xf32, #tpu.memory_space<hbm>>
      %dma_wait3A_173 = arith.constant 0 : i32
      %dma_wait3A_174 = tpu.memref_slice %arg11[%add3A_138, %dma_wait3A_173] : memref<51200x128xf32, #tpu.memory_space<hbm>> -> memref<128x128xf32, #tpu.memory_space<hbm>>
      tpu.wait_dma2 semaphore(%run_scoped3A_166 : memref<!tpu.dma_semaphore, #tpu.memory_space<semaphore_mem>>) src(%arg14 : memref<128x128xf32, #tpu.memory_space<vmem>>) dst(%dma_wait3A_174 : memref<128x128xf32, #tpu.memory_space<hbm>>)
      tpu.yield
    }) : () -> ()
    %run_scoped3A_139 = arith.constant 0 : i32
    "tpu.region"() ({
      %run_scoped3A_166 = tpu.sem_alloc : memref<!tpu.dma_semaphore, #tpu.memory_space<semaphore_mem>>
      %dma_start3A_167 = arith.constant 512 : i32
      %dma_start3A_168 = tpu.memref_slice %arg10[%arg1, %run_scoped3A_139, %dma_start3A_167] : memref<16x1x896xi32, #tpu.memory_space<hbm>> -> memref<1x1x128xi32, #tpu.memory_space<hbm>>
      %dma_start3A_169 = tpu.memref_squeeze %dma_start3A_168 : memref<1x1x128xi32, #tpu.memory_space<hbm>> -> memref<128xi32, #tpu.memory_space<hbm>>
      %dma_start3A_170 = arith.constant 512 : i32
      %dma_start3A_171 = tpu.memref_slice %arg10[%arg1, %run_scoped3A_139, %dma_start3A_170] : memref<16x1x896xi32, #tpu.memory_space<hbm>> -> memref<1x1x128xi32, #tpu.memory_space<hbm>>
      %dma_start3A_172 = tpu.memref_squeeze %dma_start3A_171 : memref<1x1x128xi32, #tpu.memory_space<hbm>> -> memref<128xi32, #tpu.memory_space<hbm>>
      tpu.enqueue_dma source(%dma_start3A_172 : memref<128xi32, #tpu.memory_space<hbm>>) target(%arg13 : memref<128xi32, #tpu.memory_space<vmem>>) target_semaphore(%run_scoped3A_166 : memref<!tpu.dma_semaphore, #tpu.memory_space<semaphore_mem>>)
      %dma_wait3A_173 = arith.constant 512 : i32
      %dma_wait3A_174 = tpu.memref_slice %arg10[%arg1, %run_scoped3A_139, %dma_wait3A_173] : memref<16x1x896xi32, #tpu.memory_space<hbm>> -> memref<1x1x128xi32, #tpu.memory_space<hbm>>
      %dma_wait3A_175 = tpu.memref_squeeze %dma_wait3A_174 : memref<1x1x128xi32, #tpu.memory_space<hbm>> -> memref<128xi32, #tpu.memory_space<hbm>>
      %dma_wait3A_176 = arith.constant 512 : i32
      %dma_wait3A_177 = tpu.memref_slice %arg10[%arg1, %run_scoped3A_139, %dma_wait3A_176] : memref<16x1x896xi32, #tpu.memory_space<hbm>> -> memref<1x1x128xi32, #tpu.memory_space<hbm>>
      %dma_wait3A_178 = tpu.memref_squeeze %dma_wait3A_177 : memref<1x1x128xi32, #tpu.memory_space<hbm>> -> memref<128xi32, #tpu.memory_space<hbm>>
      tpu.wait_dma2 semaphore(%run_scoped3A_166 : memref<!tpu.dma_semaphore, #tpu.memory_space<semaphore_mem>>) src(%dma_wait3A_178 : memref<128xi32, #tpu.memory_space<hbm>>) dst(%arg13 : memref<128xi32, #tpu.memory_space<vmem>>)
      tpu.yield
    }) : () -> ()
    %dma_start3A_140 = arith.constant 0 : i32
    %dma_start3A_141 = arith.constant 0 : i32
    %dma_start3A_142 = tpu.memref_slice %arg15[%dma_start3A_140, %dma_start3A_141] : memref<12864x128xf32, #tpu.memory_space<vmem_shared>> -> memref<12864x128xf32, #tpu.memory_space<vmem_shared>>
    tpu.enqueue_indirect_dma source(%dma_start3A_142 : memref<12864x128xf32, #tpu.memory_space<vmem_shared>>) target(%arg14 : memref<128x128xf32, #tpu.memory_space<vmem>>) offsets(%arg13 : memref<128xi32, #tpu.memory_space<vmem>>) semaphore(%arg16 : memref<!tpu.dma_semaphore, #tpu.memory_space<semaphore_mem>>)
    %dma_wait3A_143 = arith.constant 0 : i32
    %dma_wait3A_144 = arith.constant 0 : i32
    %dma_wait3A_145 = tpu.memref_slice %arg15[%dma_wait3A_143, %dma_wait3A_144] : memref<12864x128xf32, #tpu.memory_space<vmem_shared>> -> memref<12864x128xf32, #tpu.memory_space<vmem_shared>>
    tpu.wait_indirect_dma semaphore(%arg16 : memref<!tpu.dma_semaphore, #tpu.memory_space<semaphore_mem>>) src(%dma_wait3A_145 : memref<12864x128xf32, #tpu.memory_space<vmem_shared>>) dst(%arg14 : memref<128x128xf32, #tpu.memory_space<vmem>>)
    %add3A_146 = arith.constant 512 : i32
    %add3A_147 = arith.addi %add3A_102, %add3A_146 : i32
    "tpu.region"() ({
      %run_scoped3A_166 = tpu.sem_alloc : memref<!tpu.dma_semaphore, #tpu.memory_space<semaphore_mem>>
      %dma_start3A_167 = arith.constant 0 : i32
      %dma_start3A_168 = tpu.memref_slice %arg11[%add3A_147, %dma_start3A_167] : memref<51200x128xf32, #tpu.memory_space<hbm>> -> memref<128x128xf32, #tpu.memory_space<hbm>>
      %dma_start3A_169 = arith.constant 0 : i32
      %dma_start3A_170 = tpu.memref_slice %arg11[%add3A_147, %dma_start3A_169] : memref<51200x128xf32, #tpu.memory_space<hbm>> -> memref<128x128xf32, #tpu.memory_space<hbm>>
      tpu.enqueue_dma source(%arg14 : memref<128x128xf32, #tpu.memory_space<vmem>>) target(%dma_start3A_170 : memref<128x128xf32, #tpu.memory_space<hbm>>) target_semaphore(%run_scoped3A_166 : memref<!tpu.dma_semaphore, #tpu.memory_space<semaphore_mem>>)
      %dma_wait3A_171 = arith.constant 0 : i32
      %dma_wait3A_172 = tpu.memref_slice %arg11[%add3A_147, %dma_wait3A_171] : memref<51200x128xf32, #tpu.memory_space<hbm>> -> memref<128x128xf32, #tpu.memory_space<hbm>>
      %dma_wait3A_173 = arith.constant 0 : i32
      %dma_wait3A_174 = tpu.memref_slice %arg11[%add3A_147, %dma_wait3A_173] : memref<51200x128xf32, #tpu.memory_space<hbm>> -> memref<128x128xf32, #tpu.memory_space<hbm>>
      tpu.wait_dma2 semaphore(%run_scoped3A_166 : memref<!tpu.dma_semaphore, #tpu.memory_space<semaphore_mem>>) src(%arg14 : memref<128x128xf32, #tpu.memory_space<vmem>>) dst(%dma_wait3A_174 : memref<128x128xf32, #tpu.memory_space<hbm>>)
      tpu.yield
    }) : () -> ()
    %run_scoped3A_148 = arith.constant 0 : i32
    "tpu.region"() ({
      %run_scoped3A_166 = tpu.sem_alloc : memref<!tpu.dma_semaphore, #tpu.memory_space<semaphore_mem>>
      %dma_start3A_167 = arith.constant 640 : i32
      %dma_start3A_168 = tpu.memref_slice %arg10[%arg1, %run_scoped3A_148, %dma_start3A_167] : memref<16x1x896xi32, #tpu.memory_space<hbm>> -> memref<1x1x128xi32, #tpu.memory_space<hbm>>
      %dma_start3A_169 = tpu.memref_squeeze %dma_start3A_168 : memref<1x1x128xi32, #tpu.memory_space<hbm>> -> memref<128xi32, #tpu.memory_space<hbm>>
      %dma_start3A_170 = arith.constant 640 : i32
      %dma_start3A_171 = tpu.memref_slice %arg10[%arg1, %run_scoped3A_148, %dma_start3A_170] : memref<16x1x896xi32, #tpu.memory_space<hbm>> -> memref<1x1x128xi32, #tpu.memory_space<hbm>>
      %dma_start3A_172 = tpu.memref_squeeze %dma_start3A_171 : memref<1x1x128xi32, #tpu.memory_space<hbm>> -> memref<128xi32, #tpu.memory_space<hbm>>
      tpu.enqueue_dma source(%dma_start3A_172 : memref<128xi32, #tpu.memory_space<hbm>>) target(%arg13 : memref<128xi32, #tpu.memory_space<vmem>>) target_semaphore(%run_scoped3A_166 : memref<!tpu.dma_semaphore, #tpu.memory_space<semaphore_mem>>)
      %dma_wait3A_173 = arith.constant 640 : i32
      %dma_wait3A_174 = tpu.memref_slice %arg10[%arg1, %run_scoped3A_148, %dma_wait3A_173] : memref<16x1x896xi32, #tpu.memory_space<hbm>> -> memref<1x1x128xi32, #tpu.memory_space<hbm>>
      %dma_wait3A_175 = tpu.memref_squeeze %dma_wait3A_174 : memref<1x1x128xi32, #tpu.memory_space<hbm>> -> memref<128xi32, #tpu.memory_space<hbm>>
      %dma_wait3A_176 = arith.constant 640 : i32
      %dma_wait3A_177 = tpu.memref_slice %arg10[%arg1, %run_scoped3A_148, %dma_wait3A_176] : memref<16x1x896xi32, #tpu.memory_space<hbm>> -> memref<1x1x128xi32, #tpu.memory_space<hbm>>
      %dma_wait3A_178 = tpu.memref_squeeze %dma_wait3A_177 : memref<1x1x128xi32, #tpu.memory_space<hbm>> -> memref<128xi32, #tpu.memory_space<hbm>>
      tpu.wait_dma2 semaphore(%run_scoped3A_166 : memref<!tpu.dma_semaphore, #tpu.memory_space<semaphore_mem>>) src(%dma_wait3A_178 : memref<128xi32, #tpu.memory_space<hbm>>) dst(%arg13 : memref<128xi32, #tpu.memory_space<vmem>>)
      tpu.yield
    }) : () -> ()
    %dma_start3A_149 = arith.constant 0 : i32
    %dma_start3A_150 = arith.constant 0 : i32
    %dma_start3A_151 = tpu.memref_slice %arg15[%dma_start3A_149, %dma_start3A_150] : memref<12864x128xf32, #tpu.memory_space<vmem_shared>> -> memref<12864x128xf32, #tpu.memory_space<vmem_shared>>
    tpu.enqueue_indirect_dma source(%dma_start3A_151 : memref<12864x128xf32, #tpu.memory_space<vmem_shared>>) target(%arg14 : memref<128x128xf32, #tpu.memory_space<vmem>>) offsets(%arg13 : memref<128xi32, #tpu.memory_space<vmem>>) semaphore(%arg16 : memref<!tpu.dma_semaphore, #tpu.memory_space<semaphore_mem>>)
    %dma_wait3A_152 = arith.constant 0 : i32
    %dma_wait3A_153 = arith.constant 0 : i32
    %dma_wait3A_154 = tpu.memref_slice %arg15[%dma_wait3A_152, %dma_wait3A_153] : memref<12864x128xf32, #tpu.memory_space<vmem_shared>> -> memref<12864x128xf32, #tpu.memory_space<vmem_shared>>
    tpu.wait_indirect_dma semaphore(%arg16 : memref<!tpu.dma_semaphore, #tpu.memory_space<semaphore_mem>>) src(%dma_wait3A_154 : memref<12864x128xf32, #tpu.memory_space<vmem_shared>>) dst(%arg14 : memref<128x128xf32, #tpu.memory_space<vmem>>)
    %add3A_155 = arith.constant 640 : i32
    %add3A_156 = arith.addi %add3A_102, %add3A_155 : i32
    "tpu.region"() ({
      %run_scoped3A_166 = tpu.sem_alloc : memref<!tpu.dma_semaphore, #tpu.memory_space<semaphore_mem>>
      %dma_start3A_167 = arith.constant 0 : i32
      %dma_start3A_168 = tpu.memref_slice %arg11[%add3A_156, %dma_start3A_167] : memref<51200x128xf32, #tpu.memory_space<hbm>> -> memref<128x128xf32, #tpu.memory_space<hbm>>
      %dma_start3A_169 = arith.constant 0 : i32
      %dma_start3A_170 = tpu.memref_slice %arg11[%add3A_156, %dma_start3A_169] : memref<51200x128xf32, #tpu.memory_space<hbm>> -> memref<128x128xf32, #tpu.memory_space<hbm>>
      tpu.enqueue_dma source(%arg14 : memref<128x128xf32, #tpu.memory_space<vmem>>) target(%dma_start3A_170 : memref<128x128xf32, #tpu.memory_space<hbm>>) target_semaphore(%run_scoped3A_166 : memref<!tpu.dma_semaphore, #tpu.memory_space<semaphore_mem>>)
      %dma_wait3A_171 = arith.constant 0 : i32
      %dma_wait3A_172 = tpu.memref_slice %arg11[%add3A_156, %dma_wait3A_171] : memref<51200x128xf32, #tpu.memory_space<hbm>> -> memref<128x128xf32, #tpu.memory_space<hbm>>
      %dma_wait3A_173 = arith.constant 0 : i32
      %dma_wait3A_174 = tpu.memref_slice %arg11[%add3A_156, %dma_wait3A_173] : memref<51200x128xf32, #tpu.memory_space<hbm>> -> memref<128x128xf32, #tpu.memory_space<hbm>>
      tpu.wait_dma2 semaphore(%run_scoped3A_166 : memref<!tpu.dma_semaphore, #tpu.memory_space<semaphore_mem>>) src(%arg14 : memref<128x128xf32, #tpu.memory_space<vmem>>) dst(%dma_wait3A_174 : memref<128x128xf32, #tpu.memory_space<hbm>>)
      tpu.yield
    }) : () -> ()
    %run_scoped3A_157 = arith.constant 0 : i32
    "tpu.region"() ({
      %run_scoped3A_166 = tpu.sem_alloc : memref<!tpu.dma_semaphore, #tpu.memory_space<semaphore_mem>>
      %dma_start3A_167 = arith.constant 768 : i32
      %dma_start3A_168 = tpu.memref_slice %arg10[%arg1, %run_scoped3A_157, %dma_start3A_167] : memref<16x1x896xi32, #tpu.memory_space<hbm>> -> memref<1x1x128xi32, #tpu.memory_space<hbm>>
      %dma_start3A_169 = tpu.memref_squeeze %dma_start3A_168 : memref<1x1x128xi32, #tpu.memory_space<hbm>> -> memref<128xi32, #tpu.memory_space<hbm>>
      %dma_start3A_170 = arith.constant 768 : i32
      %dma_start3A_171 = tpu.memref_slice %arg10[%arg1, %run_scoped3A_157, %dma_start3A_170] : memref<16x1x896xi32, #tpu.memory_space<hbm>> -> memref<1x1x128xi32, #tpu.memory_space<hbm>>
      %dma_start3A_172 = tpu.memref_squeeze %dma_start3A_171 : memref<1x1x128xi32, #tpu.memory_space<hbm>> -> memref<128xi32, #tpu.memory_space<hbm>>
      tpu.enqueue_dma source(%dma_start3A_172 : memref<128xi32, #tpu.memory_space<hbm>>) target(%arg13 : memref<128xi32, #tpu.memory_space<vmem>>) target_semaphore(%run_scoped3A_166 : memref<!tpu.dma_semaphore, #tpu.memory_space<semaphore_mem>>)
      %dma_wait3A_173 = arith.constant 768 : i32
      %dma_wait3A_174 = tpu.memref_slice %arg10[%arg1, %run_scoped3A_157, %dma_wait3A_173] : memref<16x1x896xi32, #tpu.memory_space<hbm>> -> memref<1x1x128xi32, #tpu.memory_space<hbm>>
      %dma_wait3A_175 = tpu.memref_squeeze %dma_wait3A_174 : memref<1x1x128xi32, #tpu.memory_space<hbm>> -> memref<128xi32, #tpu.memory_space<hbm>>
      %dma_wait3A_176 = arith.constant 768 : i32
      %dma_wait3A_177 = tpu.memref_slice %arg10[%arg1, %run_scoped3A_157, %dma_wait3A_176] : memref<16x1x896xi32, #tpu.memory_space<hbm>> -> memref<1x1x128xi32, #tpu.memory_space<hbm>>
      %dma_wait3A_178 = tpu.memref_squeeze %dma_wait3A_177 : memref<1x1x128xi32, #tpu.memory_space<hbm>> -> memref<128xi32, #tpu.memory_space<hbm>>
      tpu.wait_dma2 semaphore(%run_scoped3A_166 : memref<!tpu.dma_semaphore, #tpu.memory_space<semaphore_mem>>) src(%dma_wait3A_178 : memref<128xi32, #tpu.memory_space<hbm>>) dst(%arg13 : memref<128xi32, #tpu.memory_space<vmem>>)
      tpu.yield
    }) : () -> ()
    %dma_start3A_158 = arith.constant 0 : i32
    %dma_start3A_159 = arith.constant 0 : i32
    %dma_start3A_160 = tpu.memref_slice %arg15[%dma_start3A_158, %dma_start3A_159] : memref<12864x128xf32, #tpu.memory_space<vmem_shared>> -> memref<12864x128xf32, #tpu.memory_space<vmem_shared>>
    tpu.enqueue_indirect_dma source(%dma_start3A_160 : memref<12864x128xf32, #tpu.memory_space<vmem_shared>>) target(%arg14 : memref<128x128xf32, #tpu.memory_space<vmem>>) offsets(%arg13 : memref<128xi32, #tpu.memory_space<vmem>>) semaphore(%arg16 : memref<!tpu.dma_semaphore, #tpu.memory_space<semaphore_mem>>)
    %dma_wait3A_161 = arith.constant 0 : i32
    %dma_wait3A_162 = arith.constant 0 : i32
    %dma_wait3A_163 = tpu.memref_slice %arg15[%dma_wait3A_161, %dma_wait3A_162] : memref<12864x128xf32, #tpu.memory_space<vmem_shared>> -> memref<12864x128xf32, #tpu.memory_space<vmem_shared>>
    tpu.wait_indirect_dma semaphore(%arg16 : memref<!tpu.dma_semaphore, #tpu.memory_space<semaphore_mem>>) src(%dma_wait3A_163 : memref<12864x128xf32, #tpu.memory_space<vmem_shared>>) dst(%arg14 : memref<128x128xf32, #tpu.memory_space<vmem>>)
    %add3A_164 = arith.constant 768 : i32
    %add3A_165 = arith.addi %add3A_102, %add3A_164 : i32
    "tpu.region"() ({
      %run_scoped3A_166 = tpu.sem_alloc : memref<!tpu.dma_semaphore, #tpu.memory_space<semaphore_mem>>
      %dma_start3A_167 = arith.constant 0 : i32
      %dma_start3A_168 = arith.constant 0 : i32
      %dma_start3A_169 = tpu.memref_slice %arg14[%dma_start3A_167, %dma_start3A_168] : memref<128x128xf32, #tpu.memory_space<vmem>> -> memref<32x128xf32, #tpu.memory_space<vmem>>
      %dma_start3A_170 = arith.constant 0 : i32
      %dma_start3A_171 = tpu.memref_slice %arg11[%add3A_165, %dma_start3A_170] : memref<51200x128xf32, #tpu.memory_space<hbm>> -> memref<32x128xf32, #tpu.memory_space<hbm>>
      %dma_start3A_172 = arith.constant 0 : i32
      %dma_start3A_173 = tpu.memref_slice %arg11[%add3A_165, %dma_start3A_172] : memref<51200x128xf32, #tpu.memory_space<hbm>> -> memref<32x128xf32, #tpu.memory_space<hbm>>
      %dma_start3A_174 = arith.constant 0 : i32
      %dma_start3A_175 = arith.constant 0 : i32
      %dma_start3A_176 = tpu.memref_slice %arg14[%dma_start3A_174, %dma_start3A_175] : memref<128x128xf32, #tpu.memory_space<vmem>> -> memref<32x128xf32, #tpu.memory_space<vmem>>
      tpu.enqueue_dma source(%dma_start3A_176 : memref<32x128xf32, #tpu.memory_space<vmem>>) target(%dma_start3A_173 : memref<32x128xf32, #tpu.memory_space<hbm>>) target_semaphore(%run_scoped3A_166 : memref<!tpu.dma_semaphore, #tpu.memory_space<semaphore_mem>>)
      %dma_wait3A_177 = arith.constant 0 : i32
      %dma_wait3A_178 = arith.constant 0 : i32
      %dma_wait3A_179 = tpu.memref_slice %arg14[%dma_wait3A_177, %dma_wait3A_178] : memref<128x128xf32, #tpu.memory_space<vmem>> -> memref<32x128xf32, #tpu.memory_space<vmem>>
      %dma_wait3A_180 = arith.constant 0 : i32
      %dma_wait3A_181 = tpu.memref_slice %arg11[%add3A_165, %dma_wait3A_180] : memref<51200x128xf32, #tpu.memory_space<hbm>> -> memref<32x128xf32, #tpu.memory_space<hbm>>
      %dma_wait3A_182 = arith.constant 0 : i32
      %dma_wait3A_183 = tpu.memref_slice %arg11[%add3A_165, %dma_wait3A_182] : memref<51200x128xf32, #tpu.memory_space<hbm>> -> memref<32x128xf32, #tpu.memory_space<hbm>>
      %dma_wait3A_184 = arith.constant 0 : i32
      %dma_wait3A_185 = arith.constant 0 : i32
      %dma_wait3A_186 = tpu.memref_slice %arg14[%dma_wait3A_184, %dma_wait3A_185] : memref<128x128xf32, #tpu.memory_space<vmem>> -> memref<32x128xf32, #tpu.memory_space<vmem>>
      tpu.wait_dma2 semaphore(%run_scoped3A_166 : memref<!tpu.dma_semaphore, #tpu.memory_space<semaphore_mem>>) src(%dma_wait3A_186 : memref<32x128xf32, #tpu.memory_space<vmem>>) dst(%dma_wait3A_183 : memref<32x128xf32, #tpu.memory_space<hbm>>)
      tpu.yield
    }) : () -> ()
    return
  }
}

module attributes {stable_mosaic.version = 14 : i64} {
  func.func @_mean_t_body(%arg0: i32, %arg1: memref<16x50x128xf32, #tpu.memory_space<vmem>>, %arg2: memref<16x64x50xf32, #tpu.memory_space<vmem>>) attributes {dimension_semantics = [#tpu.dimension_semantics<arbitrary>], iteration_bounds = array<i64: 64>, scalar_prefetch = 0 : i64, scratch_operands = 0 : i64, tpu.core_type = #tpu.core_type<tc>, window_params = [{transform_indices = @transform_0, window_bounds = array<i64: 16, 50, 128>}, {transform_indices = @transform_1, window_bounds = array<i64: 16, 64, 50>}]} {
    %get3A = arith.constant 0 : index
    %get3A_0 = arith.constant 0 : index
    %get3A_1 = arith.constant 0 : index
    %get3A_2 = vector.load %arg1[%get3A, %get3A_0, %get3A_1] : memref<16x50x128xf32, #tpu.memory_space<vmem>>, vector<16x50x64xf32>
    %get3A_3 = arith.constant 0 : index
    %get3A_4 = arith.constant 0 : index
    %get3A_5 = arith.constant 64 : index
    %get3A_6 = vector.load %arg1[%get3A_3, %get3A_4, %get3A_5] : memref<16x50x128xf32, #tpu.memory_space<vmem>>, vector<16x50x1xf32>
    %max3A = arith.constant 1.000000e+00 : f32
    %max3A_7 = vector.broadcast %max3A : f32 to vector<16x50x1xf32>
    %max3A_8 = arith.maximumf %get3A_6, %max3A_7 : vector<16x50x1xf32>
    %div3A = vector.broadcast %max3A_8 : vector<16x50x1xf32> to vector<16x50x64xf32>
    %div3A_9 = arith.divf %get3A_2, %div3A : vector<16x50x64xf32>
    %transpose3A = tpu.transpose %div3A_9, [0, 2, 1] : vector<16x50x64xf32> -> vector<16x64x50xf32>
    %swap3A = arith.constant 0 : index
    %swap3A_10 = arith.constant 0 : index
    %swap3A_11 = arith.constant 0 : index
    %swap3A_12 = vector.load %arg2[%swap3A, %swap3A_10, %swap3A_11] : memref<16x64x50xf32, #tpu.memory_space<vmem>>, vector<16x64x50xf32>
    tpu.vector_store %arg2[%swap3A, %swap3A_10, %swap3A_11], %transpose3A {strides = array<i32>} : memref<16x64x50xf32, #tpu.memory_space<vmem>>, vector<16x64x50xf32>,
    return
  }
  func.func @transform_0(%arg0: i32) -> (i32, i32, i32) {
    %c0_i32 = arith.constant 0 : i32
    %c0_i32_0 = arith.constant 0 : i32
    %c0_i32_1 = arith.constant 0 : i32
    return %arg0, %c0_i32, %c0_i32_0 : i32, i32, i32
  }
  func.func @transform_1(%arg0: i32) -> (i32, i32, i32) {
    %c0_i32 = arith.constant 0 : i32
    %c0_i32_0 = arith.constant 0 : i32
    %c0_i32_1 = arith.constant 0 : i32
    return %arg0, %c0_i32, %c0_i32_0 : i32, i32, i32
  }
}

</mosaic_0001>

<sc_bundles>
// kernel: kernel.4.cloned.1.call-start
scs
__scs_entry_jumppad:
0x0: {  	(pc) =	sbr.rel $0x88, $3  }
0x1: {  	(tag) =	ssettag $0x0;
	lr =	simm.s32 $0x1  }
0x2: {  	[smem:$0x3F9D] =	sst lr;
	_ =	strace $0xD0000000  }
0x3: {  	_ = 	snop  }
0x4: {  	_ = 	snop  }
0x5: {  	_ = 	snop  }
0x6: {  	_ = 	snop  }
0x7: {  	_ = 	snop  }
__scs_overlays_trampoline_lowered:
0x8: {  	[smem:$0x3FAC] =	sst s0  }
0x9: {  	[smem:$0x3FAD] =	sst s1  }
0xa: {  	[smem:$0x3FAE] =	sst s2  }
0xb: {  	[smem:$0x3FAF] =	sst s3  }
0xc: {  	[smem:$0x3FB0] =	sst s4  }
0xd: {  	[smem:$0x3FB1] =	sst s5  }
0xe: {  	[smem:$0x3FB2] =	sst s6  }
0xf: {  	[smem:$0x3FB3] =	sst s7  }
0x10: {  	[smem:$0x3FB4] =	sst s8  }
0x11: {  	[smem:$0x3FB5] =	sst s9;
	s0 =	simm.s32 @!p0 $0x0  }
0x12: {  	s1 =	sld [smem:$0x3F9B];
	s0 =	simm.s32 @p0 $0x1  }
0x13: {  	[smem:$0x3FB6] =	sst s0;
	s0 =	simm.s32 @!p1 $0x0  }
0x14: {  	s2 =	sld [smem:$0x3F9A];
	s0 =	simm.s32 @p1 $0x1  }
0x15: {  	[smem:$0x3FB7] =	sst s0;
	s0 =	simm.s32 @!p2 $0x0  }
0x16: {  	s3 =	sld [smem:$0x3FDB];
	s0 =	simm.s32 @p2 $0x1  }
0x17: {  	s4 =	simm.s32 $0x1BF5;
	[smem:$0x3FB9] =	sst s0  }
0x18: {  	s0 =	sld [smem:$0x3F9C];
	_ =	swait.ge [sflag:s4], $0x0  }
0x19: {  	s7 =	sld [smem:$0x3F9D]  }
0x1a: {  	s8 =	sadd.s32 $0xFFFFE003, lr  }
0x1b: {  	s9 =	sadd.s32 $0xFFFFFEF7, lr;
	s5 =	simm.s32 $0xFFFFFFFF;
	p2 =	slt.u32 s8, $0xFFFFF086  }
0x1c: {  	p1 =	slt.u32 s9, $0xF7A;
	s5 =	simm.s32 @!p2 $0x0  }
0x1d: {  	s5 =	simm.s32 @p1 $0x1;
	p0 =	seq.s32 s7, s2  }
0x1e: {  	s7 =	smul.u32 @!p0 $0xF7A, s2;
	p2 =	seq.s32 @!p0 s5, $0x0  }
0x1f: {  	s9 =	smul.u32 $0xF7A, s1;
	s8 =	simm.s32 @!p0 $0x1BF5;
	p2 =	por !p2, p0  }
0x20: {  	[sflag:s8] =	ssyncset.s32 @!p0 $0xFFFFF086;
	s6 =	sadd.s32 @!p0 s3, s7;
	s7 =	simm.s32 @!p0 $0x108  }
0x21: {  	s3 =	sadd.s32 s3, s9;
	s6 =	sadd.s32 @!p0 $0x88, s6;
	s7 =	simm.s32 @p2 $0x1082  }
0x22: {  	[simem:s7], [sflag:s8] =	dma.local @!p0 [hbm:s6], $0xF7A  }
0x23: {  	s9 =	sor.u32 $0xD0000000, s2;
	s6 =	simm.s32 $0x108;
	_ =	swait.ge @!p0 [sflag:s8], $0x0  }
0x24: {  	s3 =	sadd.s32 $0x88, s3;
	s6 =	simm.s32 @!p1 $0x1082;
	[sflag:s4] =	ssyncset.s32 $0xFFFFF086  }
0x25: {  	[simem:s6], [sflag:s4] =	dma.local [hbm:s3], $0xF7A  }
0x26: {  	[smem:$0x3F9D] =	sst s1;
	(tag) =	ssettag s2;
	_ =	strace s9  }
0x27: {  	s1 =	sld [smem:$0x3FAD]  }
0x28: {  	s2 =	sld [smem:$0x3FAE]  }
0x29: {  	s4 =	sld [smem:$0x3FB0]  }
0x2a: {  	p0 =	seq.s32 s5, $0x0;
	s5 =	sld [smem:$0x3FB1]  }
0x2b: {  	s6 =	sld [smem:$0x3FB2]  }
0x2c: {  	s7 =	sld [smem:$0x3FB3]  }
0x2d: {  	s3 =	simm.s32 $0x108;
	s8 =	sld [smem:$0x3FB4]  }
0x2e: {  	s3 =	simm.s32 @!p0 $0x1082;
	s9 =	sld [smem:$0x3FB5]  }
0x2f: {  	lr =	sadd.s32 s0, s3;
	s0 =	sld [smem:$0x3FAC]  }
0x30: {  	s3 =	sld [smem:$0x3FAF]  }
0x31: {  	[smem:$0x3FB8] =	sst s10  }
0x32: {  	s10 =	sld [smem:$0x3FB6];
	_ =	sdelay $0x3  }
0x33: {  	p0 =	seq.s32 s10, $0x1;
	s10 =	sld [smem:$0x3FB8];
	_ =	sdelay $0x3  }
0x34: {  	[smem:$0x3FB8] =	sst s10  }
0x35: {  	s10 =	sld [smem:$0x3FB7];
	_ =	sdelay $0x3  }
0x36: {  	p1 =	seq.s32 s10, $0x1;
	s10 =	sld [smem:$0x3FB8];
	_ =	sdelay $0x3  }
0x37: {  	[smem:$0x3FB8] =	sst s10  }
0x38: {  	s10 =	sld [smem:$0x3FB9]  }
0x39: {  	_ = 	snop;
	(pc) =	sbr.ind lr, $3  }
0x3a: {  	_ = 	snop  }
0x3b: {  	_ = 	snop  }
0x3c: {  	p2 =	seq.s32 s10, $0x1;
	s10 =	sld [smem:$0x3FB8]  }
0x3d: {  	_ =	shalt  }
0x3e: {  	_ =	shalt  }
0x3f: {  	_ =	shalt  }
0x40: {  	_ =	shalt  }
0x41: {  	_ =	shalt  }
0x42: {  	_ =	shalt  }
0x43: {  	_ =	shalt  }
0x44: {  	_ =	shalt  }
0x45: {  	_ =	shalt  }
0x46: {  	_ =	shalt  }
0x47: {  	_ =	shalt  }
0x48: {  	_ =	shalt  }
0x49: {  	_ =	shalt  }
0x4a: {  	_ =	shalt  }
0x4b: {  	_ =	shalt  }
0x4c: {  	_ =	shalt  }
0x4d: {  	_ =	shalt  }
0x4e: {  	_ =	shalt  }
0x4f: {  	_ =	shalt  }
0x50: {  	_ =	shalt  }
0x51: {  	_ =	shalt  }
0x52: {  	_ =	shalt  }
0x53: {  	_ =	shalt  }
0x54: {  	_ =	shalt  }
0x55: {  	_ =	shalt  }
0x56: {  	_ =	shalt  }
0x57: {  	_ =	shalt  }
0x58: {  	_ =	shalt  }
0x59: {  	_ =	shalt  }
0x5a: {  	_ =	shalt  }
0x5b: {  	_ =	shalt  }
0x5c: {  	_ =	shalt  }
0x5d: {  	_ =	shalt  }
0x5e: {  	_ =	shalt  }
0x5f: {  	_ =	shalt  }
0x60: {  	_ =	shalt  }
0x61: {  	_ =	shalt  }
0x62: {  	_ =	shalt  }
0x63: {  	_ =	shalt  }
0x64: {  	_ =	shalt  }
0x65: {  	_ =	shalt  }
0x66: {  	_ =	shalt  }
0x67: {  	_ =	shalt  }
0x68: {  	_ =	shalt  }
0x69: {  	_ =	shalt  }
0x6a: {  	_ =	shalt  }
0x6b: {  	_ =	shalt  }
0x6c: {  	_ =	shalt  }
0x6d: {  	_ =	shalt  }
0x6e: {  	_ =	shalt  }
0x6f: {  	_ =	shalt  }
0x70: {  	_ =	shalt  }
0x71: {  	_ =	shalt  }
0x72: {  	_ =	shalt  }
0x73: {  	_ =	shalt  }
0x74: {  	_ =	shalt  }
0x75: {  	_ =	shalt  }
0x76: {  	_ =	shalt  }
0x77: {  	_ =	shalt  }
0x78: {  	_ =	shalt  }
0x79: {  	_ =	shalt  }
0x7a: {  	_ =	shalt  }
0x7b: {  	_ =	shalt  }
0x7c: {  	_ =	shalt  }
0x7d: {  	_ =	shalt  }
0x7e: {  	_ =	shalt  }
0x7f: {  	_ =	shalt  }
0x80: {  	_ =	shalt  }
0x81: {  	_ =	shalt  }
0x82: {  	_ =	shalt  }
0x83: {  	_ =	shalt  }
0x84: {  	_ =	shalt  }
0x85: {  	_ =	shalt  }
0x86: {  	_ =	shalt  }
0x87: {  	_ =	shalt  }
.Lfunc_end0:
.L_simem_size_0:
called_computation_lowered:
.L_overlay_start_0:
0x88: {  	s2 =	sld [smem:$0x3FD9]  }
0x89: {  	s3 =	sld [smem:$0x3FFE];
	_ =	sdelay $0x1  }
0x8a: {  	s1 =	srdreg.scid  }
0x8b: {  	s0 =	sand.u32 $0x1, s1  }
0x8c: {  	s17 =	sshll.u32 s0, $0xA;
	s2 =	sadd.s32 s3, s2  }
0x8d: {  	s2 =	sadd.s32 s2, s17  }
0x8e: {  	[smem:$0x3FC4] =	sst s2  }
0x8f: {  	_ = 	snop  }
0x90: {  	s2 =	sld [smem:$0x3FC9]  }
0x91: {  	s18 =	sld [smem:$0x3FD0];
	(tm) =	ssettm $0x1  }
0x92: {  	s4 =	sld [smem:$0x3FFB];
	_ =	sdelay $0x3  }
0x93: {  	_ =	strace s4  }
0x94: {  	s4 =	sld [smem:$0x3FFC];
	_ =	sdelay $0x3  }
0x95: {  	_ =	strace s4  }
0x96: {  	s4 =	sld [smem:$0x3FFD];
	_ =	sdelay $0x3  }
0x97: {  	_ =	strace s4  }
0x98: {  	_ =	strace $0x8FFFFFFF  }
0x99: {  	s19 =	sld [smem:$0x3FDB];
	_ =	sdelay $0x1  }
0x9a: {  	s5 =	simm.s32 $_scs_section_size  }
0x9b: {  	s6 =	simm.s32 $_size__tile_overlayer_lowered;
	s7 =	simm.s32 $_tile_overlayer_lowered  }
0x9c: {  	s22 =	simm.s32 $0x1BFF;
	s21 =	sshll.u32 s7, $0x1;
	s4 =	sadd.s32 s5, s19  }
0x9d: {  	s8 =	simm.s32 $0x0;
	s20 =	sshll.u32 s6, $0x1;
	s6 =	sadd.s32 s21, s4  }
0x9e: {  	[timem:s8], [sflag:s22] =	dma.local [hbm:s6], s20  }
0x9f: {  	_ =	swait.ge [sflag:s22], s20  }
0xa0: {  	s5 =	ssub.s32 $0x0, s20;
	[sflag:s22] =	ssyncset.done $0x0  }
0xa1: {  	[sflag:s22] =	ssyncadd.s32 s5;
	_ =	sdelay $0x1  }
0xa2: {  	s23 =	simm.s32 $0x1B8B  }
0xa3: {  	_ =	swait.ge [sflag:s23], $0x1  }
0xa4: {  	[sflag:s23] =	ssyncset.done $0x0  }
0xa5: {  	s25 =	simm.s32 $0x1B8E;
	s24 =	sld [smem:$0x3FFE];
	[sflag:s23] =	ssyncadd.s32 $0xFFFFFFFF  }
0xa6: {  	s26 =	simm.s32 $execute0_lowered;
	[smem:$0x3FD2] =	sst s25  }
0xa7: {  	s6 =	sshll.u32 s26, $0x1;
	_ =	strace $0x80000046;
	[dreg:$0x1] =	wrdreg $0xFFFFFFFF  }
0xa8: {  	s28 =	simm.s32 $_size_execute0_lowered;
	s4 =	sadd.s32 s4, s6;
	[dreg:$0x0] =	wrdreg $0x0  }
0xa9: {  	s6 =	sshll.u32 s28, $0x1;
	[dreg:$0x2] =	wrdreg s4  }
0xaa: {  	[dreg:$0x3] =	wrdreg s6  }
0xab: {  	[dreg:$0x4] =	wrdreg $0xC0  }
0xac: {  	_ =	task [dreg:s8], $0x5FFFF  }
0xad: {  	[dreg:$0x1] =	wrdreg $0xFFFFFFFF  }
0xae: {  	[dreg:$0x0] =	wrdreg $0x60  }
0xaf: {  	[dreg:$0x2] =	wrdreg s2  }
0xb0: {  	[dreg:$0x3] =	wrdreg s24  }
0xb1: {  	[dreg:$0x4] =	wrdreg s18  }
0xb2: {  	[dreg:$0x5] =	wrdreg $0x41000  }
0xb3: {  	[dreg:$0x6] =	wrdreg $0x9  }
0xb4: {  	_ =	task.clear_ibuf [dreg:s8], $0x7FFFF;
	_ =	strace $0x90000046  }
0xb5: {  	s29 =	simm.s32 $0x9;
	_ =	strace $0x80000048  }
0xb6: {  	_ =	swait.ge [sflag:s29], $0x1  }
0xb7: {  	[sflag:s29] =	ssyncadd.s32 $0xFFFFFFFF  }
0xb8: {  	_ =	strace $0x90000048  }
0xb9: {  	_ =	sfence  }
0xba: {  	s30 =	sld [smem:$0x0];
	_ =	sdelay $0x2  }
0xbb: {  	s31 =	sshll.u32 s1, $0xD;
	s1 =	sshrl.u32 s1, $0x2  }
0xbc: {  	s3 =	sand.u32 $0x4000, s31;
	s1 =	sadd.s32 s1, s30  }
0xbd: {  	s0 =	sor.u32 s3, s0;
	s1 =	sshll.u32 s1, $0x11  }
0xbe: {  	s0 =	sor.u32 s1, s0  }
0xbf: {  	s0 =	sadd.s32 $0x8F2B, s0  }
0xc0: {  	[sflag:s0] =	ssyncadd.remote.s32 $0x1  }
0xc1: {  	_ =	sfence.sel $0xFFFF  }
0xc2: {  	[dreg:$0x0] =	wrdreg $0xFFFFFFFF;
	(pc) =	sbr.abs _section_cstart, $3  }
0xc3: {  	[dreg:$0x1] =	wrdreg $0xFFFFFFFF  }
0xc4: {  	_ =	task.clear_ibuf [dreg:s8], $0x2FFFF;
	_ =	strace $0x9FFFFFFF  }
0xc5: {  	(tm) =	ssettm $0x7FFFFFFF  }
tec
execute0_lowered:
.L_overlay_start_1:
0x0: {  	(tag) =	ssettag $0x1  }
0x1: {  	s0 =	rddreg [dreg:$0x0]  }
0x2: {  	s3 =	rddreg [dreg:$0x1]  }
0x3: {  	s18 =	rddreg [dreg:$0x2]  }
0x4: {  	s1 =	rddreg [dreg:$0x3];
	s2 =	simm.s32 $0x0;
	s4 =	srdreg.scid  }
0x5: {  	s6 =	stileid.u32;
	[smem:$0x7FF] =	sst s2;
	s20 =	sadd.s32 $0x4C00, s3  }
0x6: {  	s10 =	sadd.s32 $0xB800, s3;
	s9 =	sand.u32 $0x1, s4;
	s23 =	smul.u32 $0x380, s6  }
0x7: {  	s17 =	sadd.s32 $0xB000, s3;
	s22 =	smul.u32 $0x320, s6;
	s5 =	ssub.s32 $0x2, s9  }
0x8: {  	_ =	strace $0x80000047;
	s19 =	smul.u32 $0x6400, s9;
	s24 =	sshrl.u32 s5, $0x1  }
0x9: {  	p0 =	seq.s32 s9, $0x1;
	s11 =	sshrl.u32 s23, $0x3;
	s23 =	ssub.s32 s5, s24  }
0xa: {  	s4 =	sadd.s32 s10, s11;
	s12 =	sadd.s32 $0x10, s11;
	s13 =	sadd.s32 $0x20, s11  }
0xb: {  	s14 =	sadd.s32 $0x30, s11;
	s15 =	sadd.s32 $0x40, s11;
	s16 =	sadd.s32 $0x50, s11  }
0xc: {  	s21 =	sadd.s32 $0x60, s11;
	s11 =	sadd.s32 s17, s11;
	s19 =	sadd.s32 s22, s19  }
0xd: {  	s24 =	sadd.s32 $0x7E00, s3;
	s5 =	sadd.s32 s10, s12;
	s6 =	sadd.s32 s10, s13  }
0xe: {  	s7 =	sadd.s32 s10, s14;
	s8 =	sadd.s32 s10, s15;
	s9 =	sadd.s32 s10, s16  }
0xf: {  	s10 =	sadd.s32 s10, s21;
	s12 =	sadd.s32 s17, s12;
	s13 =	sadd.s32 s17, s13  }
0x10: {  	s14 =	sadd.s32 s17, s14;
	s15 =	sadd.s32 s17, s15;
	s16 =	sadd.s32 s17, s16  }
0x11: {  	s17 =	sadd.s32 s17, s21;
	s21 =	sadd.s32 $0x1A00, s3;
	s19 =	sshll.u32 s19, $0x4  }
0x12: {  	s24 =	smov.u32 @p0 s18;
	s18 =	sadd.s32 $0xF4D400, s3;
	s26 =	sadd.s32 s19, s3  }
0x13: {  	s20 =	smov.u32 @p0 s21;
	s19 =	sadd.s32 $0xC000, s3;
	s25 =	sadd.s32 $0xC800, s26  }
0x14: {  	s21 =	sadd.s32 s22, s0;
	s28 =	sadd.s32 $0xD000, s26;
	[dreg:$0x5] =	wrdreg s25  }
0x15: {  	s20 =	sadd.s32 s22, s20;
	s3 =	sadd.s32 $0xD800, s26;
	[dreg:$0x6] =	wrdreg s28  }
0x16: {  	s22 =	sadd.s32 s22, s24;
	s24 =	sadd.s32 $0xE000, s26;
	[dreg:$0x7] =	wrdreg s3  }
0x17: {  	[dreg:$0x8] =	wrdreg s24;
	s25 =	sadd.s32 $0xE800, s26  }
0x18: {  	s28 =	sadd.s32 $0xF000, s26;
	[dreg:$0x9] =	wrdreg s25  }
0x19: {  	s3 =	sadd.s32 $0xF800, s26;
	[dreg:$0xa] =	wrdreg s28  }
0x1a: {  	s24 =	sadd.s32 $0x3E800, s26;
	[dreg:$0xb] =	wrdreg s3  }
0x1b: {  	[dreg:$0xc] =	wrdreg s24;
	s25 =	sadd.s32 $0x3F000, s26  }
0x1c: {  	s28 =	sadd.s32 $0x3F800, s26;
	[dreg:$0xd] =	wrdreg s25  }
0x1d: {  	s3 =	sadd.s32 $0x40000, s26;
	[dreg:$0xe] =	wrdreg s28  }
0x1e: {  	s24 =	sadd.s32 $0x40800, s26;
	[dreg:$0xf] =	wrdreg s3  }
0x1f: {  	s29 =	simm.s32 $0x100;
	[dreg:$0x10] =	wrdreg s24;
	s25 =	sadd.s32 $0x41000, s26  }
0x20: {  	s30 =	simm.s32 $0x2;
	s26 =	sadd.s32 $0x41800, s26;
	[dreg:$0x11] =	wrdreg s25  }
0x21: {  	s31 =	simm.s32 $0x80;
	s28 =	smax.u32 s23, $0x1;
	[dreg:$0x12] =	wrdreg s26  }
0x22: {  	s0 =	simm.s32 $0x1;
	s3 =	simm.s32 $0x0;
	[dreg:$0x13] =	wrdreg s28  }
.LBB2_1:
0x23: {  	[tilespmem:s29], [sflag:$0x2] =	stream.linear.gather [hbm4b:s19+s2], $0x4000, $0x38;
	[tilespmem:$0x1D300] =	vst v63  }
0x24: {  	_ =	swait.ge [sflag:s30], $0x4000  }
0x25: {  	[sflag:s30] =	ssyncset.done $0x0  }
0x26: {  	[sflag:s30] =	ssyncadd.s32 $0xFFFFC000  }
0x27: {  	[tilespmem:s31], [sflag:$0x2] =	stream.linear.gather [hbm4b:s4+s2], $0x80, $0x38;
	[tilespmem:$0x1D300] =	vst v63  }
0x28: {  	_ =	swait.ge [sflag:s30], $0x80  }
0x29: {  	[sflag:s30] =	ssyncset.done $0x0  }
0x2a: {  	[sflag:s30] =	ssyncadd.s32 $0xFFFFFF80  }
0x2b: {  	[spmem:s1] =	stream.indirect.scatter [tilespmem:s29], [sflag:$0x2], $0x80, s31, s31, $0xb8;
	[tilespmem:$0x1D300] =	vst v63  }
0x2c: {  	_ =	swait.ge [sflag:s30], $0x4000  }
0x2d: {  	[sflag:s30] =	ssyncset.done $0x0  }
0x2e: {  	[sflag:s30] =	ssyncadd.s32 $0xFFFFC000  }
0x2f: {  	[tilespmem:s31], [sflag:$0x2] =	stream.linear.gather [hbm4b:s5+s2], $0x80, $0x38;
	[tilespmem:$0x1D300] =	vst v63  }
0x30: {  	_ =	swait.ge [sflag:s30], $0x80  }
0x31: {  	[sflag:s30] =	ssyncset.done $0x0  }
0x32: {  	[sflag:s30] =	ssyncadd.s32 $0xFFFFFF80  }
0x33: {  	[spmem:s1] =	stream.indirect.scatter [tilespmem:s29], [sflag:$0x2], $0x80, s31, s31, $0xb8;
	[tilespmem:$0x1D300] =	vst v63  }
0x34: {  	_ =	swait.ge [sflag:s30], $0x4000  }
0x35: {  	[sflag:s30] =	ssyncset.done $0x0  }
0x36: {  	[sflag:s30] =	ssyncadd.s32 $0xFFFFC000  }
0x37: {  	[tilespmem:s31], [sflag:$0x2] =	stream.linear.gather [hbm4b:s6+s2], $0x80, $0x38;
	[tilespmem:$0x1D300] =	vst v63  }
0x38: {  	_ =	swait.ge [sflag:s30], $0x80  }
0x39: {  	[sflag:s30] =	ssyncset.done $0x0  }
0x3a: {  	[sflag:s30] =	ssyncadd.s32 $0xFFFFFF80  }
0x3b: {  	[spmem:s1] =	stream.indirect.scatter [tilespmem:s29], [sflag:$0x2], $0x80, s31, s31, $0xb8;
	[tilespmem:$0x1D300] =	vst v63  }
0x3c: {  	_ =	swait.ge [sflag:s30], $0x4000  }
0x3d: {  	[sflag:s30] =	ssyncset.done $0x0  }
0x3e: {  	[sflag:s30] =	ssyncadd.s32 $0xFFFFC000  }
0x3f: {  	[tilespmem:s31], [sflag:$0x2] =	stream.linear.gather [hbm4b:s7+s2], $0x80, $0x38;
	[tilespmem:$0x1D300] =	vst v63  }
0x40: {  	_ =	swait.ge [sflag:s30], $0x80  }
0x41: {  	[sflag:s30] =	ssyncset.done $0x0  }
0x42: {  	[sflag:s30] =	ssyncadd.s32 $0xFFFFFF80  }
0x43: {  	[spmem:s1] =	stream.indirect.scatter [tilespmem:s29], [sflag:$0x2], $0x80, s31, s31, $0xb8;
	[tilespmem:$0x1D300] =	vst v63  }
0x44: {  	_ =	swait.ge [sflag:s30], $0x4000  }
0x45: {  	[sflag:s30] =	ssyncset.done $0x0  }
0x46: {  	[sflag:s30] =	ssyncadd.s32 $0xFFFFC000  }
0x47: {  	[tilespmem:s31], [sflag:$0x2] =	stream.linear.gather [hbm4b:s8+s2], $0x80, $0x38;
	[tilespmem:$0x1D300] =	vst v63  }
0x48: {  	_ =	swait.ge [sflag:s30], $0x80  }
0x49: {  	[sflag:s30] =	ssyncset.done $0x0  }
0x4a: {  	[sflag:s30] =	ssyncadd.s32 $0xFFFFFF80  }
0x4b: {  	[spmem:s1] =	stream.indirect.scatter [tilespmem:s29], [sflag:$0x2], $0x80, s31, s31, $0xb8;
	[tilespmem:$0x1D300] =	vst v63  }
0x4c: {  	_ =	swait.ge [sflag:s30], $0x4000  }
0x4d: {  	[sflag:s30] =	ssyncset.done $0x0  }
0x4e: {  	[sflag:s30] =	ssyncadd.s32 $0xFFFFC000  }
0x4f: {  	[tilespmem:s31], [sflag:$0x2] =	stream.linear.gather [hbm4b:s9+s2], $0x80, $0x38;
	[tilespmem:$0x1D300] =	vst v63  }
0x50: {  	_ =	swait.ge [sflag:s30], $0x80  }
0x51: {  	[sflag:s30] =	ssyncset.done $0x0  }
0x52: {  	[sflag:s30] =	ssyncadd.s32 $0xFFFFFF80  }
0x53: {  	[spmem:s1] =	stream.indirect.scatter [tilespmem:s29], [sflag:$0x2], $0x80, s31, s31, $0xb8;
	[tilespmem:$0x1D300] =	vst v63  }
0x54: {  	_ =	swait.ge [sflag:s30], $0x4000  }
0x55: {  	[sflag:s30] =	ssyncset.done $0x0  }
0x56: {  	[sflag:s30] =	ssyncadd.s32 $0xFFFFC000  }
0x57: {  	[tilespmem:s31], [sflag:$0x2] =	stream.linear.gather [hbm4b:s10+s2], $0x80, $0x38;
	[tilespmem:$0x1D300] =	vst v63  }
0x58: {  	_ =	swait.ge [sflag:s30], $0x80  }
0x59: {  	[sflag:s30] =	ssyncset.done $0x0  }
0x5a: {  	[sflag:s30] =	ssyncadd.s32 $0xFFFFFF80  }
0x5b: {  	[spmem:s1] =	stream.indirect.scatter [tilespmem:s29], [sflag:$0x2], $0x80, s31, s31, $0xb8;
	[tilespmem:$0x1D300] =	vst v63  }
0x5c: {  	_ =	swait.ge [sflag:s30], $0x4000  }
0x5d: {  	[sflag:s30] =	ssyncset.done $0x0  }
0x5e: {  	[sflag:s30] =	ssyncadd.s32 $0xFFFFC000  }
0x5f: {  	s23 =	sadd.s32 $0x0, s21;
	[bflag:$0x0] =	sbarrier.arrive $0xFFFF  }
0x60: {  	[tilespmem:s2], [sflag:$0x2] =	stream.linear.gather [hbm4b:s23+s2], $0x80, $0x38;
	[tilespmem:$0x1D300] =	vst v63  }
0x61: {  	_ =	swait.ge [sflag:s30], $0x80  }
0x62: {  	[sflag:s30] =	ssyncset.done $0x0  }
0x63: {  	s28 =	sadd.s32 $0x0, s20;
	[sflag:s30] =	ssyncadd.s32 $0xFFFFFF80  }
0x64: {  	[tilespmem:s31], [sflag:$0x2] =	stream.linear.gather [hbm4b:s28+s2], $0x80, $0x38;
	[tilespmem:$0x1D300] =	vst v63  }
0x65: {  	_ =	swait.ge [sflag:s30], $0x80  }
0x66: {  	[sflag:s30] =	ssyncset.done $0x0  }
0x67: {  	[sflag:s30] =	ssyncadd.s32 $0xFFFFFF80  }
0x68: {  	[tilespmem:s29], [sflag:$0x1] =	stream.indirect.gather [hbm4b:s18+s31], $0x80, s2, s31, $0xb8;
	[tilespmem:$0x1D300] =	vst v63  }
0x69: {  	_ =	swait.ge [sflag:s0], $0x4000  }
0x6a: {  	[sflag:s0] =	ssyncset.done $0x0  }
0x6b: {  	[sflag:s0] =	ssyncadd.s32 $0xFFFFC000  }
0x6c: {  	[spmem:s1] =	stream.indirect.scatter.add.f32 [tilespmem:s29], [sflag:$0x2], $0x80, s31, s31, $0xb8;
	[tilespmem:$0x1D300] =	vst v63  }
0x6d: {  	_ =	swait.ge [sflag:s30], $0x4000  }
0x6e: {  	s24 =	simm.s32 $0x20;
	s23 =	simm.s32 $0x10;
	[sflag:s30] =	ssyncset.done $0x0  }
.LBB2_2:
0x6f: {  	s25 =	sadd.s32 s23, s21  }
0x70: {  	[sflag:s30] =	ssyncadd.s32 $0xFFFFC000;
	s26 =	smov.u32 s24;
	s28 =	sadd.s32 $0x10, s24  }
0x71: {  	[tilespmem:s2], [sflag:$0x2] =	stream.linear.gather [hbm4b:s25+s2], $0x80, $0x38;
	[tilespmem:$0x1D300] =	vst v63  }
0x72: {  	p0 =	sne.s32 s24, $0x310;
	_ =	swait.ge [sflag:s30], $0x80  }
0x73: {  	[sflag:s30] =	ssyncset.done $0x0  }
0x74: {  	s24 =	sadd.s32 s23, s20;
	s23 =	smov.u32 s26;
	[sflag:s30] =	ssyncadd.s32 $0xFFFFFF80  }
0x75: {  	[tilespmem:s31], [sflag:$0x2] =	stream.linear.gather [hbm4b:s24+s2], $0x80, $0x38;
	[tilespmem:$0x1D300] =	vst v63  }
0x76: {  	_ =	swait.ge [sflag:s30], $0x80  }
0x77: {  	[sflag:s30] =	ssyncset.done $0x0  }
0x78: {  	[sflag:s30] =	ssyncadd.s32 $0xFFFFFF80  }
0x79: {  	[tilespmem:s29], [sflag:$0x1] =	stream.indirect.gather [hbm4b:s18+s31], $0x80, s2, s31, $0xb8;
	[tilespmem:$0x1D300] =	vst v63  }
0x7a: {  	_ =	swait.ge [sflag:s0], $0x4000  }
.Ltmp0:
0x7b: {  	[sflag:s0] =	ssyncset.done $0x0;
	(pc) =	sbr.rel @p0 .LBB2_2-.Ltmp0, $4  }
0x7c: {  	[sflag:s0] =	ssyncadd.s32 $0xFFFFC000  }
0x7d: {  	[spmem:s1] =	stream.indirect.scatter.add.f32 [tilespmem:s29], [sflag:$0x2], $0x80, s31, s31, $0xb8;
	[tilespmem:$0x1D300] =	vst v63  }
0x7e: {  	_ =	swait.ge [sflag:s30], $0x4000  }
0x7f: {  	s24 =	smov.u32 s28;
	[sflag:s30] =	ssyncset.done $0x0  }
0x80: {  	s24 =	sadd.s32 s23, s21;
	[sflag:s30] =	ssyncadd.s32 $0xFFFFC000  }
0x81: {  	[tilespmem:s2], [sflag:$0x2] =	stream.linear.gather [hbm4b:s24+s2], $0x80, $0x38;
	[tilespmem:$0x1D300] =	vst v63  }
0x82: {  	_ =	swait.ge [sflag:s30], $0x80  }
0x83: {  	[sflag:s30] =	ssyncset.done $0x0  }
0x84: {  	s24 =	sadd.s32 s23, s20;
	[sflag:s30] =	ssyncadd.s32 $0xFFFFFF80  }
0x85: {  	[tilespmem:s31], [sflag:$0x2] =	stream.linear.gather [hbm4b:s24+s2], $0x80, $0x38;
	[tilespmem:$0x1D300] =	vst v63  }
0x86: {  	_ =	swait.ge [sflag:s30], $0x80  }
0x87: {  	[sflag:s30] =	ssyncset.done $0x0  }
0x88: {  	[sflag:s30] =	ssyncadd.s32 $0xFFFFFF80  }
0x89: {  	[tilespmem:s29], [sflag:$0x1] =	stream.indirect.gather [hbm4b:s18+s31], $0x80, s2, s31, $0xb8;
	[tilespmem:$0x1D300] =	vst v63  }
0x8a: {  	_ =	swait.ge [sflag:s0], $0x4000  }
0x8b: {  	[sflag:s0] =	ssyncset.done $0x0  }
0x8c: {  	[sflag:s0] =	ssyncadd.s32 $0xFFFFC000  }
0x8d: {  	[spmem:s1] =	stream.indirect.scatter.add.f32 [tilespmem:s29], [sflag:$0x2], $0x80, s31, s31, $0xb8;
	[tilespmem:$0x1D300] =	vst v63  }
0x8e: {  	_ =	swait.ge [sflag:s30], $0x4000  }
0x8f: {  	[sflag:s30] =	ssyncset.done $0x0  }
0x90: {  	[sflag:s30] =	ssyncadd.s32 $0xFFFFC000  }
0x91: {  	s23 =	simm.s32 $0x0;
	[bflag:$0x0] =	sbarrier.arrive $0xFFFF  }
0x92: {  	[tilespmem:s31], [sflag:$0x2] =	stream.linear.gather [hbm4b:s11+s23], $0x80, $0x38;
	[tilespmem:$0x1D300] =	vst v63  }
0x93: {  	_ =	swait.ge [sflag:s30], $0x80  }
0x94: {  	[sflag:s30] =	ssyncset.done $0x0  }
0x95: {  	[sflag:s30] =	ssyncadd.s32 $0xFFFFFF80  }
0x96: {  	[tilespmem:s29], [sflag:$0x1] =	stream.indirect.gather [spmem:s1], $0x80, s31, s31, $0xb8;
	[tilespmem:$0x1D300] =	vst v63  }
0x97: {  	_ =	swait.ge [sflag:s0], $0x4000  }
0x98: {  	[sflag:s0] =	ssyncset.done $0x0  }
0x99: {  	s25 =	rddreg [dreg:$0x5];
	[sflag:s0] =	ssyncadd.s32 $0xFFFFC000  }
0x9a: {  	[hbm4b:s25+s23] =	stream.linear.scatter [tilespmem:s29], [sflag:$0x2], $0x4000, $0x38;
	[tilespmem:$0x1D300] =	vst v63  }
0x9b: {  	_ =	swait.ge [sflag:s30], $0x4000  }
0x9c: {  	[sflag:s30] =	ssyncset.done $0x0  }
0x9d: {  	[sflag:s30] =	ssyncadd.s32 $0xFFFFC000  }
0x9e: {  	[tilespmem:s31], [sflag:$0x2] =	stream.linear.gather [hbm4b:s12+s23], $0x80, $0x38;
	[tilespmem:$0x1D300] =	vst v63  }
0x9f: {  	_ =	swait.ge [sflag:s30], $0x80  }
0xa0: {  	[sflag:s30] =	ssyncset.done $0x0  }
0xa1: {  	[sflag:s30] =	ssyncadd.s32 $0xFFFFFF80  }
0xa2: {  	[tilespmem:s29], [sflag:$0x1] =	stream.indirect.gather [spmem:s1], $0x80, s31, s31, $0xb8;
	[tilespmem:$0x1D300] =	vst v63  }
0xa3: {  	_ =	swait.ge [sflag:s0], $0x4000  }
0xa4: {  	[sflag:s0] =	ssyncset.done $0x0  }
0xa5: {  	s26 =	rddreg [dreg:$0x6];
	[sflag:s0] =	ssyncadd.s32 $0xFFFFC000  }
0xa6: {  	[hbm4b:s26+s23] =	stream.linear.scatter [tilespmem:s29], [sflag:$0x2], $0x4000, $0x38;
	[tilespmem:$0x1D300] =	vst v63  }
0xa7: {  	_ =	swait.ge [sflag:s30], $0x4000  }
0xa8: {  	[sflag:s30] =	ssyncset.done $0x0  }
0xa9: {  	[sflag:s30] =	ssyncadd.s32 $0xFFFFC000  }
0xaa: {  	[tilespmem:s31], [sflag:$0x2] =	stream.linear.gather [hbm4b:s13+s23], $0x80, $0x38;
	[tilespmem:$0x1D300] =	vst v63  }
0xab: {  	_ =	swait.ge [sflag:s30], $0x80  }
0xac: {  	[sflag:s30] =	ssyncset.done $0x0  }
0xad: {  	[sflag:s30] =	ssyncadd.s32 $0xFFFFFF80  }
0xae: {  	[tilespmem:s29], [sflag:$0x1] =	stream.indirect.gather [spmem:s1], $0x80, s31, s31, $0xb8;
	[tilespmem:$0x1D300] =	vst v63  }
0xaf: {  	_ =	swait.ge [sflag:s0], $0x4000  }
0xb0: {  	[sflag:s0] =	ssyncset.done $0x0  }
0xb1: {  	s28 =	rddreg [dreg:$0x7];
	[sflag:s0] =	ssyncadd.s32 $0xFFFFC000  }
0xb2: {  	[hbm4b:s28+s23] =	stream.linear.scatter [tilespmem:s29], [sflag:$0x2], $0x4000, $0x38;
	[tilespmem:$0x1D300] =	vst v63  }
0xb3: {  	_ =	swait.ge [sflag:s30], $0x4000  }
0xb4: {  	[sflag:s30] =	ssyncset.done $0x0  }
0xb5: {  	[sflag:s30] =	ssyncadd.s32 $0xFFFFC000  }
0xb6: {  	[tilespmem:s31], [sflag:$0x2] =	stream.linear.gather [hbm4b:s14+s23], $0x80, $0x38;
	[tilespmem:$0x1D300] =	vst v63  }
0xb7: {  	_ =	swait.ge [sflag:s30], $0x80  }
0xb8: {  	[sflag:s30] =	ssyncset.done $0x0  }
0xb9: {  	[sflag:s30] =	ssyncadd.s32 $0xFFFFFF80  }
0xba: {  	[tilespmem:s29], [sflag:$0x1] =	stream.indirect.gather [spmem:s1], $0x80, s31, s31, $0xb8;
	[tilespmem:$0x1D300] =	vst v63  }
0xbb: {  	_ =	swait.ge [sflag:s0], $0x4000  }
0xbc: {  	[sflag:s0] =	ssyncset.done $0x0  }
0xbd: {  	s25 =	rddreg [dreg:$0x8];
	[sflag:s0] =	ssyncadd.s32 $0xFFFFC000  }
0xbe: {  	[hbm4b:s25+s23] =	stream.linear.scatter [tilespmem:s29], [sflag:$0x2], $0x4000, $0x38;
	[tilespmem:$0x1D300] =	vst v63  }
0xbf: {  	_ =	swait.ge [sflag:s30], $0x4000  }
0xc0: {  	[sflag:s30] =	ssyncset.done $0x0  }
0xc1: {  	[sflag:s30] =	ssyncadd.s32 $0xFFFFC000  }
0xc2: {  	[tilespmem:s31], [sflag:$0x2] =	stream.linear.gather [hbm4b:s15+s23], $0x80, $0x38;
	[tilespmem:$0x1D300] =	vst v63  }
0xc3: {  	_ =	swait.ge [sflag:s30], $0x80  }
0xc4: {  	[sflag:s30] =	ssyncset.done $0x0  }
0xc5: {  	[sflag:s30] =	ssyncadd.s32 $0xFFFFFF80  }
0xc6: {  	[tilespmem:s29], [sflag:$0x1] =	stream.indirect.gather [spmem:s1], $0x80, s31, s31, $0xb8;
	[tilespmem:$0x1D300] =	vst v63  }
0xc7: {  	_ =	swait.ge [sflag:s0], $0x4000  }
0xc8: {  	[sflag:s0] =	ssyncset.done $0x0  }
0xc9: {  	s26 =	rddreg [dreg:$0x9];
	[sflag:s0] =	ssyncadd.s32 $0xFFFFC000  }
0xca: {  	[hbm4b:s26+s23] =	stream.linear.scatter [tilespmem:s29], [sflag:$0x2], $0x4000, $0x38;
	[tilespmem:$0x1D300] =	vst v63  }
0xcb: {  	_ =	swait.ge [sflag:s30], $0x4000  }
0xcc: {  	[sflag:s30] =	ssyncset.done $0x0  }
0xcd: {  	[sflag:s30] =	ssyncadd.s32 $0xFFFFC000  }
0xce: {  	[tilespmem:s31], [sflag:$0x2] =	stream.linear.gather [hbm4b:s16+s23], $0x80, $0x38;
	[tilespmem:$0x1D300] =	vst v63  }
0xcf: {  	_ =	swait.ge [sflag:s30], $0x80  }
0xd0: {  	[sflag:s30] =	ssyncset.done $0x0  }
0xd1: {  	[sflag:s30] =	ssyncadd.s32 $0xFFFFFF80  }
0xd2: {  	[tilespmem:s29], [sflag:$0x1] =	stream.indirect.gather [spmem:s1], $0x80, s31, s31, $0xb8;
	[tilespmem:$0x1D300] =	vst v63  }
0xd3: {  	_ =	swait.ge [sflag:s0], $0x4000  }
0xd4: {  	[sflag:s0] =	ssyncset.done $0x0  }
0xd5: {  	s28 =	rddreg [dreg:$0xa];
	[sflag:s0] =	ssyncadd.s32 $0xFFFFC000  }
0xd6: {  	[hbm4b:s28+s23] =	stream.linear.scatter [tilespmem:s29], [sflag:$0x2], $0x4000, $0x38;
	[tilespmem:$0x1D300] =	vst v63  }
0xd7: {  	_ =	swait.ge [sflag:s30], $0x4000  }
0xd8: {  	[sflag:s30] =	ssyncset.done $0x0  }
0xd9: {  	[sflag:s30] =	ssyncadd.s32 $0xFFFFC000  }
0xda: {  	[tilespmem:s31], [sflag:$0x2] =	stream.linear.gather [hbm4b:s17+s23], $0x80, $0x38;
	[tilespmem:$0x1D300] =	vst v63  }
0xdb: {  	_ =	swait.ge [sflag:s30], $0x80  }
0xdc: {  	[sflag:s30] =	ssyncset.done $0x0  }
0xdd: {  	[sflag:s30] =	ssyncadd.s32 $0xFFFFFF80  }
0xde: {  	[tilespmem:s29], [sflag:$0x1] =	stream.indirect.gather [spmem:s1], $0x80, s31, s31, $0xb8;
	[tilespmem:$0x1D300] =	vst v63  }
0xdf: {  	_ =	swait.ge [sflag:s0], $0x4000  }
0xe0: {  	[sflag:s0] =	ssyncset.done $0x0  }
0xe1: {  	s25 =	rddreg [dreg:$0xb];
	[sflag:s0] =	ssyncadd.s32 $0xFFFFC000  }
0xe2: {  	[hbm4b:s25+s23] =	stream.linear.scatter [tilespmem:s29], [sflag:$0x2], $0x1000, $0x38;
	[tilespmem:$0x1D300] =	vst v63  }
0xe3: {  	_ =	swait.ge [sflag:s30], $0x1000  }
0xe4: {  	[sflag:s30] =	ssyncset.done $0x0  }
0xe5: {  	[sflag:s30] =	ssyncadd.s32 $0xFFFFF000  }
0xe6: {  	[bflag:$0x0] =	sbarrier.arrive $0xFFFF  }
0xe7: {  	[tilespmem:s29], [sflag:$0x2] =	stream.linear.gather [hbm4b:s19+s23], $0x4000, $0x38;
	[tilespmem:$0x1D300] =	vst v63  }
0xe8: {  	_ =	swait.ge [sflag:s30], $0x4000  }
0xe9: {  	[sflag:s30] =	ssyncset.done $0x0  }
0xea: {  	[sflag:s30] =	ssyncadd.s32 $0xFFFFC000  }
0xeb: {  	[tilespmem:s31], [sflag:$0x2] =	stream.linear.gather [hbm4b:s4+s23], $0x80, $0x38;
	[tilespmem:$0x1D300] =	vst v63  }
0xec: {  	_ =	swait.ge [sflag:s30], $0x80  }
0xed: {  	[sflag:s30] =	ssyncset.done $0x0  }
0xee: {  	[sflag:s30] =	ssyncadd.s32 $0xFFFFFF80  }
0xef: {  	[spmem:s1] =	stream.indirect.scatter [tilespmem:s29], [sflag:$0x2], $0x80, s31, s31, $0xb8;
	[tilespmem:$0x1D300] =	vst v63  }
0xf0: {  	_ =	swait.ge [sflag:s30], $0x4000  }
0xf1: {  	[sflag:s30] =	ssyncset.done $0x0  }
0xf2: {  	[sflag:s30] =	ssyncadd.s32 $0xFFFFC000  }
0xf3: {  	[tilespmem:s31], [sflag:$0x2] =	stream.linear.gather [hbm4b:s5+s23], $0x80, $0x38;
	[tilespmem:$0x1D300] =	vst v63  }
0xf4: {  	_ =	swait.ge [sflag:s30], $0x80  }
0xf5: {  	[sflag:s30] =	ssyncset.done $0x0  }
0xf6: {  	[sflag:s30] =	ssyncadd.s32 $0xFFFFFF80  }
0xf7: {  	[spmem:s1] =	stream.indirect.scatter [tilespmem:s29], [sflag:$0x2], $0x80, s31, s31, $0xb8;
	[tilespmem:$0x1D300] =	vst v63  }
0xf8: {  	_ =	swait.ge [sflag:s30], $0x4000  }
0xf9: {  	[sflag:s30] =	ssyncset.done $0x0  }
0xfa: {  	[sflag:s30] =	ssyncadd.s32 $0xFFFFC000  }
0xfb: {  	[tilespmem:s31], [sflag:$0x2] =	stream.linear.gather [hbm4b:s6+s23], $0x80, $0x38;
	[tilespmem:$0x1D300] =	vst v63  }
0xfc: {  	_ =	swait.ge [sflag:s30], $0x80  }
0xfd: {  	[sflag:s30] =	ssyncset.done $0x0  }
0xfe: {  	[sflag:s30] =	ssyncadd.s32 $0xFFFFFF80  }
0xff: {  	[spmem:s1] =	stream.indirect.scatter [tilespmem:s29], [sflag:$0x2], $0x80, s31, s31, $0xb8;
	[tilespmem:$0x1D300] =	vst v63  }
0x100: {  	_ =	swait.ge [sflag:s30], $0x4000  }
0x101: {  	[sflag:s30] =	ssyncset.done $0x0  }
0x102: {  	[sflag:s30] =	ssyncadd.s32 $0xFFFFC000  }
0x103: {  	[tilespmem:s31], [sflag:$0x2] =	stream.linear.gather [hbm4b:s7+s23], $0x80, $0x38;
	[tilespmem:$0x1D300] =	vst v63  }
0x104: {  	_ =	swait.ge [sflag:s30], $0x80  }
0x105: {  	[sflag:s30] =	ssyncset.done $0x0  }
0x106: {  	[sflag:s30] =	ssyncadd.s32 $0xFFFFFF80  }
0x107: {  	[spmem:s1] =	stream.indirect.scatter [tilespmem:s29], [sflag:$0x2], $0x80, s31, s31, $0xb8;
	[tilespmem:$0x1D300] =	vst v63  }
0x108: {  	_ =	swait.ge [sflag:s30], $0x4000  }
0x109: {  	[sflag:s30] =	ssyncset.done $0x0  }
0x10a: {  	[sflag:s30] =	ssyncadd.s32 $0xFFFFC000  }
0x10b: {  	[tilespmem:s31], [sflag:$0x2] =	stream.linear.gather [hbm4b:s8+s23], $0x80, $0x38;
	[tilespmem:$0x1D300] =	vst v63  }
0x10c: {  	_ =	swait.ge [sflag:s30], $0x80  }
0x10d: {  	[sflag:s30] =	ssyncset.done $0x0  }
0x10e: {  	[sflag:s30] =	ssyncadd.s32 $0xFFFFFF80  }
0x10f: {  	[spmem:s1] =	stream.indirect.scatter [tilespmem:s29], [sflag:$0x2], $0x80, s31, s31, $0xb8;
	[tilespmem:$0x1D300] =	vst v63  }
0x110: {  	_ =	swait.ge [sflag:s30], $0x4000  }
0x111: {  	[sflag:s30] =	ssyncset.done $0x0  }
0x112: {  	[sflag:s30] =	ssyncadd.s32 $0xFFFFC000  }
0x113: {  	[tilespmem:s31], [sflag:$0x2] =	stream.linear.gather [hbm4b:s9+s23], $0x80, $0x38;
	[tilespmem:$0x1D300] =	vst v63  }
0x114: {  	_ =	swait.ge [sflag:s30], $0x80  }
0x115: {  	[sflag:s30] =	ssyncset.done $0x0  }
0x116: {  	[sflag:s30] =	ssyncadd.s32 $0xFFFFFF80  }
0x117: {  	[spmem:s1] =	stream.indirect.scatter [tilespmem:s29], [sflag:$0x2], $0x80, s31, s31, $0xb8;
	[tilespmem:$0x1D300] =	vst v63  }
0x118: {  	_ =	swait.ge [sflag:s30], $0x4000  }
0x119: {  	[sflag:s30] =	ssyncset.done $0x0  }
0x11a: {  	[sflag:s30] =	ssyncadd.s32 $0xFFFFC000  }
0x11b: {  	[tilespmem:s31], [sflag:$0x2] =	stream.linear.gather [hbm4b:s10+s23], $0x80, $0x38;
	[tilespmem:$0x1D300] =	vst v63  }
0x11c: {  	_ =	swait.ge [sflag:s30], $0x80  }
0x11d: {  	[sflag:s30] =	ssyncset.done $0x0  }
0x11e: {  	[sflag:s30] =	ssyncadd.s32 $0xFFFFFF80  }
0x11f: {  	[spmem:s1] =	stream.indirect.scatter [tilespmem:s29], [sflag:$0x2], $0x80, s31, s31, $0xb8;
	[tilespmem:$0x1D300] =	vst v63  }
0x120: {  	_ =	swait.ge [sflag:s30], $0x4000  }
0x121: {  	[sflag:s30] =	ssyncset.done $0x0  }
0x122: {  	[sflag:s30] =	ssyncadd.s32 $0xFFFFC000  }
0x123: {  	s26 =	sadd.s32 $0x0, s21;
	[bflag:$0x0] =	sbarrier.arrive $0xFFFF  }
0x124: {  	[tilespmem:s2], [sflag:$0x2] =	stream.linear.gather [hbm4b:s26+s2], $0x80, $0x38;
	[tilespmem:$0x1D300] =	vst v63  }
0x125: {  	_ =	swait.ge [sflag:s30], $0x80  }
0x126: {  	[sflag:s30] =	ssyncset.done $0x0  }
0x127: {  	s28 =	sadd.s32 $0x0, s22;
	[sflag:s30] =	ssyncadd.s32 $0xFFFFFF80  }
0x128: {  	[tilespmem:s31], [sflag:$0x2] =	stream.linear.gather [hbm4b:s28+s2], $0x80, $0x38;
	[tilespmem:$0x1D300] =	vst v63  }
0x129: {  	_ =	swait.ge [sflag:s30], $0x80  }
0x12a: {  	[sflag:s30] =	ssyncset.done $0x0  }
0x12b: {  	[sflag:s30] =	ssyncadd.s32 $0xFFFFFF80  }
0x12c: {  	[tilespmem:s29], [sflag:$0x1] =	stream.indirect.gather [hbm4b:s18+s31], $0x80, s2, s31, $0xb8;
	[tilespmem:$0x1D300] =	vst v63  }
0x12d: {  	_ =	swait.ge [sflag:s0], $0x4000  }
0x12e: {  	[sflag:s0] =	ssyncset.done $0x0  }
0x12f: {  	[sflag:s0] =	ssyncadd.s32 $0xFFFFC000  }
0x130: {  	[spmem:s1] =	stream.indirect.scatter.add.f32 [tilespmem:s29], [sflag:$0x2], $0x80, s31, s31, $0xb8;
	[tilespmem:$0x1D300] =	vst v63  }
0x131: {  	_ =	swait.ge [sflag:s30], $0x4000  }
0x132: {  	s24 =	simm.s32 $0x20;
	s23 =	simm.s32 $0x10;
	[sflag:s30] =	ssyncset.done $0x0  }
.LBB2_4:
0x133: {  	s25 =	sadd.s32 s23, s21  }
0x134: {  	[sflag:s30] =	ssyncadd.s32 $0xFFFFC000;
	s26 =	smov.u32 s24;
	s28 =	sadd.s32 $0x10, s24  }
0x135: {  	[tilespmem:s2], [sflag:$0x2] =	stream.linear.gather [hbm4b:s25+s2], $0x80, $0x38;
	[tilespmem:$0x1D300] =	vst v63  }
0x136: {  	p0 =	sne.s32 s24, $0x310;
	_ =	swait.ge [sflag:s30], $0x80  }
0x137: {  	[sflag:s30] =	ssyncset.done $0x0  }
0x138: {  	s24 =	sadd.s32 s23, s22;
	s23 =	smov.u32 s26;
	[sflag:s30] =	ssyncadd.s32 $0xFFFFFF80  }
0x139: {  	[tilespmem:s31], [sflag:$0x2] =	stream.linear.gather [hbm4b:s24+s2], $0x80, $0x38;
	[tilespmem:$0x1D300] =	vst v63  }
0x13a: {  	_ =	swait.ge [sflag:s30], $0x80  }
0x13b: {  	[sflag:s30] =	ssyncset.done $0x0  }
0x13c: {  	[sflag:s30] =	ssyncadd.s32 $0xFFFFFF80  }
0x13d: {  	[tilespmem:s29], [sflag:$0x1] =	stream.indirect.gather [hbm4b:s18+s31], $0x80, s2, s31, $0xb8;
	[tilespmem:$0x1D300] =	vst v63  }
0x13e: {  	_ =	swait.ge [sflag:s0], $0x4000  }
.Ltmp1:
0x13f: {  	[sflag:s0] =	ssyncset.done $0x0;
	(pc) =	sbr.rel @p0 .LBB2_4-.Ltmp1, $4  }
0x140: {  	[sflag:s0] =	ssyncadd.s32 $0xFFFFC000  }
0x141: {  	[spmem:s1] =	stream.indirect.scatter.add.f32 [tilespmem:s29], [sflag:$0x2], $0x80, s31, s31, $0xb8;
	[tilespmem:$0x1D300] =	vst v63  }
0x142: {  	_ =	swait.ge [sflag:s30], $0x4000  }
0x143: {  	s24 =	smov.u32 s28;
	[sflag:s30] =	ssyncset.done $0x0  }
0x144: {  	s24 =	sadd.s32 s23, s21;
	[sflag:s30] =	ssyncadd.s32 $0xFFFFC000  }
0x145: {  	[tilespmem:s2], [sflag:$0x2] =	stream.linear.gather [hbm4b:s24+s2], $0x80, $0x38;
	[tilespmem:$0x1D300] =	vst v63  }
0x146: {  	_ =	swait.ge [sflag:s30], $0x80  }
0x147: {  	[sflag:s30] =	ssyncset.done $0x0  }
0x148: {  	s28 =	sadd.s32 s23, s22;
	[sflag:s30] =	ssyncadd.s32 $0xFFFFFF80  }
0x149: {  	[tilespmem:s31], [sflag:$0x2] =	stream.linear.gather [hbm4b:s28+s2], $0x80, $0x38;
	[tilespmem:$0x1D300] =	vst v63  }
0x14a: {  	_ =	swait.ge [sflag:s30], $0x80  }
0x14b: {  	[sflag:s30] =	ssyncset.done $0x0  }
0x14c: {  	[sflag:s30] =	ssyncadd.s32 $0xFFFFFF80  }
0x14d: {  	[tilespmem:s29], [sflag:$0x1] =	stream.indirect.gather [hbm4b:s18+s31], $0x80, s2, s31, $0xb8;
	[tilespmem:$0x1D300] =	vst v63  }
0x14e: {  	_ =	swait.ge [sflag:s0], $0x4000  }
0x14f: {  	[sflag:s0] =	ssyncset.done $0x0  }
0x150: {  	[sflag:s0] =	ssyncadd.s32 $0xFFFFC000  }
0x151: {  	[spmem:s1] =	stream.indirect.scatter.add.f32 [tilespmem:s29], [sflag:$0x2], $0x80, s31, s31, $0xb8;
	[tilespmem:$0x1D300] =	vst v63  }
0x152: {  	_ =	swait.ge [sflag:s30], $0x4000  }
0x153: {  	[sflag:s30] =	ssyncset.done $0x0  }
0x154: {  	[sflag:s30] =	ssyncadd.s32 $0xFFFFC000  }
0x155: {  	[bflag:$0x0] =	sbarrier.arrive $0xFFFF  }
0x156: {  	[tilespmem:s31], [sflag:$0x2] =	stream.linear.gather [hbm4b:s11+s2], $0x80, $0x38;
	[tilespmem:$0x1D300] =	vst v63  }
0x157: {  	_ =	swait.ge [sflag:s30], $0x80  }
0x158: {  	[sflag:s30] =	ssyncset.done $0x0  }
0x159: {  	[sflag:s30] =	ssyncadd.s32 $0xFFFFFF80  }
0x15a: {  	[tilespmem:s29], [sflag:$0x1] =	stream.indirect.gather [spmem:s1], $0x80, s31, s31, $0xb8;
	[tilespmem:$0x1D300] =	vst v63  }
0x15b: {  	_ =	swait.ge [sflag:s0], $0x4000  }
0x15c: {  	[sflag:s0] =	ssyncset.done $0x0  }
0x15d: {  	s24 =	rddreg [dreg:$0xc];
	[sflag:s0] =	ssyncadd.s32 $0xFFFFC000  }
0x15e: {  	[hbm4b:s24+s2] =	stream.linear.scatter [tilespmem:s29], [sflag:$0x2], $0x4000, $0x38;
	[tilespmem:$0x1D300] =	vst v63  }
0x15f: {  	_ =	swait.ge [sflag:s30], $0x4000  }
0x160: {  	[sflag:s30] =	ssyncset.done $0x0  }
0x161: {  	[sflag:s30] =	ssyncadd.s32 $0xFFFFC000  }
0x162: {  	[tilespmem:s31], [sflag:$0x2] =	stream.linear.gather [hbm4b:s12+s2], $0x80, $0x38;
	[tilespmem:$0x1D300] =	vst v63  }
0x163: {  	_ =	swait.ge [sflag:s30], $0x80  }
0x164: {  	[sflag:s30] =	ssyncset.done $0x0  }
0x165: {  	[sflag:s30] =	ssyncadd.s32 $0xFFFFFF80  }
0x166: {  	[tilespmem:s29], [sflag:$0x1] =	stream.indirect.gather [spmem:s1], $0x80, s31, s31, $0xb8;
	[tilespmem:$0x1D300] =	vst v63  }
0x167: {  	_ =	swait.ge [sflag:s0], $0x4000  }
0x168: {  	[sflag:s0] =	ssyncset.done $0x0  }
0x169: {  	s25 =	rddreg [dreg:$0xd];
	[sflag:s0] =	ssyncadd.s32 $0xFFFFC000  }
0x16a: {  	[hbm4b:s25+s2] =	stream.linear.scatter [tilespmem:s29], [sflag:$0x2], $0x4000, $0x38;
	[tilespmem:$0x1D300] =	vst v63  }
0x16b: {  	_ =	swait.ge [sflag:s30], $0x4000  }
0x16c: {  	[sflag:s30] =	ssyncset.done $0x0  }
0x16d: {  	[sflag:s30] =	ssyncadd.s32 $0xFFFFC000  }
0x16e: {  	[tilespmem:s31], [sflag:$0x2] =	stream.linear.gather [hbm4b:s13+s2], $0x80, $0x38;
	[tilespmem:$0x1D300] =	vst v63  }
0x16f: {  	_ =	swait.ge [sflag:s30], $0x80  }
0x170: {  	[sflag:s30] =	ssyncset.done $0x0  }
0x171: {  	[sflag:s30] =	ssyncadd.s32 $0xFFFFFF80  }
0x172: {  	[tilespmem:s29], [sflag:$0x1] =	stream.indirect.gather [spmem:s1], $0x80, s31, s31, $0xb8;
	[tilespmem:$0x1D300] =	vst v63  }
0x173: {  	_ =	swait.ge [sflag:s0], $0x4000  }
0x174: {  	[sflag:s0] =	ssyncset.done $0x0  }
0x175: {  	s26 =	rddreg [dreg:$0xe];
	[sflag:s0] =	ssyncadd.s32 $0xFFFFC000  }
0x176: {  	[hbm4b:s26+s2] =	stream.linear.scatter [tilespmem:s29], [sflag:$0x2], $0x4000, $0x38;
	[tilespmem:$0x1D300] =	vst v63  }
0x177: {  	_ =	swait.ge [sflag:s30], $0x4000  }
0x178: {  	[sflag:s30] =	ssyncset.done $0x0  }
0x179: {  	[sflag:s30] =	ssyncadd.s32 $0xFFFFC000  }
0x17a: {  	[tilespmem:s31], [sflag:$0x2] =	stream.linear.gather [hbm4b:s14+s2], $0x80, $0x38;
	[tilespmem:$0x1D300] =	vst v63  }
0x17b: {  	_ =	swait.ge [sflag:s30], $0x80  }
0x17c: {  	[sflag:s30] =	ssyncset.done $0x0  }
0x17d: {  	[sflag:s30] =	ssyncadd.s32 $0xFFFFFF80  }
0x17e: {  	[tilespmem:s29], [sflag:$0x1] =	stream.indirect.gather [spmem:s1], $0x80, s31, s31, $0xb8;
	[tilespmem:$0x1D300] =	vst v63  }
0x17f: {  	_ =	swait.ge [sflag:s0], $0x4000  }
0x180: {  	[sflag:s0] =	ssyncset.done $0x0  }
0x181: {  	s28 =	rddreg [dreg:$0xf];
	[sflag:s0] =	ssyncadd.s32 $0xFFFFC000  }
0x182: {  	[hbm4b:s28+s2] =	stream.linear.scatter [tilespmem:s29], [sflag:$0x2], $0x4000, $0x38;
	[tilespmem:$0x1D300] =	vst v63  }
0x183: {  	_ =	swait.ge [sflag:s30], $0x4000  }
0x184: {  	[sflag:s30] =	ssyncset.done $0x0  }
0x185: {  	[sflag:s30] =	ssyncadd.s32 $0xFFFFC000  }
0x186: {  	[tilespmem:s31], [sflag:$0x2] =	stream.linear.gather [hbm4b:s15+s2], $0x80, $0x38;
	[tilespmem:$0x1D300] =	vst v63  }
0x187: {  	_ =	swait.ge [sflag:s30], $0x80  }
0x188: {  	[sflag:s30] =	ssyncset.done $0x0  }
0x189: {  	[sflag:s30] =	ssyncadd.s32 $0xFFFFFF80  }
0x18a: {  	[tilespmem:s29], [sflag:$0x1] =	stream.indirect.gather [spmem:s1], $0x80, s31, s31, $0xb8;
	[tilespmem:$0x1D300] =	vst v63  }
0x18b: {  	_ =	swait.ge [sflag:s0], $0x4000  }
0x18c: {  	[sflag:s0] =	ssyncset.done $0x0  }
0x18d: {  	s24 =	rddreg [dreg:$0x10];
	[sflag:s0] =	ssyncadd.s32 $0xFFFFC000  }
0x18e: {  	[hbm4b:s24+s2] =	stream.linear.scatter [tilespmem:s29], [sflag:$0x2], $0x4000, $0x38;
	[tilespmem:$0x1D300] =	vst v63  }
0x18f: {  	_ =	swait.ge [sflag:s30], $0x4000  }
0x190: {  	[sflag:s30] =	ssyncset.done $0x0  }
0x191: {  	[sflag:s30] =	ssyncadd.s32 $0xFFFFC000  }
0x192: {  	[tilespmem:s31], [sflag:$0x2] =	stream.linear.gather [hbm4b:s16+s2], $0x80, $0x38;
	[tilespmem:$0x1D300] =	vst v63  }
0x193: {  	_ =	swait.ge [sflag:s30], $0x80  }
0x194: {  	[sflag:s30] =	ssyncset.done $0x0  }
0x195: {  	[sflag:s30] =	ssyncadd.s32 $0xFFFFFF80  }
0x196: {  	[tilespmem:s29], [sflag:$0x1] =	stream.indirect.gather [spmem:s1], $0x80, s31, s31, $0xb8;
	[tilespmem:$0x1D300] =	vst v63  }
0x197: {  	_ =	swait.ge [sflag:s0], $0x4000  }
0x198: {  	[sflag:s0] =	ssyncset.done $0x0  }
0x199: {  	s25 =	rddreg [dreg:$0x11];
	[sflag:s0] =	ssyncadd.s32 $0xFFFFC000  }
0x19a: {  	[hbm4b:s25+s2] =	stream.linear.scatter [tilespmem:s29], [sflag:$0x2], $0x4000, $0x38;
	[tilespmem:$0x1D300] =	vst v63  }
0x19b: {  	_ =	swait.ge [sflag:s30], $0x4000  }
0x19c: {  	[sflag:s30] =	ssyncset.done $0x0  }
0x19d: {  	[sflag:s30] =	ssyncadd.s32 $0xFFFFC000  }
0x19e: {  	[tilespmem:s31], [sflag:$0x2] =	stream.linear.gather [hbm4b:s17+s2], $0x80, $0x38;
	[tilespmem:$0x1D300] =	vst v63  }
0x19f: {  	_ =	swait.ge [sflag:s30], $0x80  }
0x1a0: {  	[sflag:s30] =	ssyncset.done $0x0  }
0x1a1: {  	[sflag:s30] =	ssyncadd.s32 $0xFFFFFF80  }
0x1a2: {  	[tilespmem:s29], [sflag:$0x1] =	stream.indirect.gather [spmem:s1], $0x80, s31, s31, $0xb8;
	[tilespmem:$0x1D300] =	vst v63  }
0x1a3: {  	_ =	swait.ge [sflag:s0], $0x4000  }
0x1a4: {  	[sflag:s0] =	ssyncset.done $0x0  }
0x1a5: {  	s26 =	rddreg [dreg:$0x12];
	[sflag:s0] =	ssyncadd.s32 $0xFFFFC000  }
0x1a6: {  	[hbm4b:s26+s2] =	stream.linear.scatter [tilespmem:s29], [sflag:$0x2], $0x1000, $0x38;
	[tilespmem:$0x1D300] =	vst v63  }
0x1a7: {  	_ =	swait.ge [sflag:s30], $0x1000  }
0x1a8: {  	s3 =	sadd.s32 $0x1, s3;
	s28 =	rddreg [dreg:$0x13]  }
0x1a9: {  	p0 =	sne.s32 s3, s28  }
.Ltmp2:
0x1aa: {  	_ = 	snop;
	(pc) =	sbr.rel @p0 .LBB2_1-.Ltmp2, $3  }
0x1ab: {  	_ =	sdelay $0x1  }
0x1ac: {  	[sflag:s30] =	ssyncset.done $0x0  }
0x1ad: {  	[sflag:s30] =	ssyncadd.s32 $0xFFFFF000  }
0x1ae: {  	_ =	sfence.sel $0x180000  }
0x1af: {  	[bflag:$0x0] =	sbarrier.arrive $0xFFFF  }
0x1b0: {  	_ =	strace $0x90000047  }
0x1b1: {  	s0 =	stileid.u32;
	[bflag:$0x2] =	sbarrier.arrive $0xFFFF  }
0x1b2: {  	p0 =	sne.s32 s0, $0x0;
	s0 =	rddreg [dreg:$0x4]  }
0x1b3: {  	s0 =	sadd.s32 @!p0 $0x100000, s0  }
0x1b4: {  	[sflag:s0] =	ssyncadd.tile.s32 @!p0 $0x1;
	_ =	shalt  }
.Lfunc_end2:
_tile_overlayer_lowered:
.L_overlay_start_2:
0x1b5: {  	(tag) =	ssettag $0x2  }
0x1b6: {  	s0 =	rddreg [dreg:$0x0];
	s2 =	stileid.u32  }
0x1b7: {  	s1 =	rddreg [dreg:$0x1];
	p0 =	sne.s32 s2, $0x0  }
0x1b8: {  	s3 =	rddreg [dreg:$0x2];
	[bflag:$0x3] =	sbarrier.arrive $0xFFFF;
	s2 =	simm.s32 @!p0 $0x1C02  }
0x1b9: {  	[timem:s3], [sflag:s2] =	dma.local @!p0 [hbm:s0], s1  }
0x1ba: {  	s0 =	simm.s32 @!p0 $0x2  }
0x1bb: {  	_ =	swait.ge @!p0 [sflag:s0], s1  }
0x1bc: {  	s1 =	ssub.s32 @!p0 $0x0, s1;
	[sflag:s0] =	ssyncset.done @!p0 $0x0  }
0x1bd: {  	[sflag:s0] =	ssyncadd.s32 @!p0 s1  }
0x1be: {  	[bflag:$0x3] =	sbarrier.arrive $0xFFFF  }
0x1bf: {  	_ =	shalt  }

</sc_bundles>
